<compile_context>
chip_gen: v7x
topology: tpu7x:2x2x1
jax: 0.10.2.dev20260603
libtpu: 0.0.44.dev20260713+nightly
codegen_flags: <defaults>
</compile_context>

<pallas_src>
import jax
import jax.numpy as jnp
from jax import lax
from jax.experimental import pallas as pl
from jax.experimental.pallas import tpu as pltpu
from jax.experimental.pallas import tpu_sc as plsc

N = 10000
E = 320000
D_H = 128
D_OUT = 40

NC = 2
NS = 16
NW = NC * NS
K = 80
NCHUNK = 125
EPT = NCHUNK * K
NP = 10240
RPT = NP // NS

_mesh = plsc.VectorSubcoreMesh(core_axis_name="c", subcore_axis_name="s")


def _make_sc_agg(D):

  def body(table, src_p, dst_p, out,
           src_buf, dst_buf, gbuf_a, gbuf_b, sem_a, sem_b, shared):
    c = lax.axis_index("c")
    s = lax.axis_index("s")
    wid = c * NS + s

    def src_idx(j):
      return src_buf.at[pl.ds(j * K, K)]

    def zrow(r, carry):
      for col in range(D // 16):
        gbuf_a[r, pl.ds(col * 16, 16)] = jnp.zeros((16,), jnp.float32)
      return carry

    lax.fori_loop(0, K, zrow, 0)
    for i in range(RPT // K):
      pltpu.async_copy(gbuf_a, shared.at[pl.ds(s * RPT + i * K, K)], sem_a)
    for i in range(RPT // K):
      pltpu.make_async_copy(gbuf_a, shared.at[pl.ds(s * RPT + i * K, K)],
                            sem_a).wait()
    plsc.subcore_barrier()

    pltpu.sync_copy(src_p.at[wid], src_buf)
    pltpu.sync_copy(dst_p.at[wid], dst_buf)
    pltpu.async_copy(table.at[src_idx(0)], gbuf_a, sem_a)

    def pair(i, carry):
      j0 = 2 * i
      pltpu.make_async_copy(table.at[src_idx(j0)], gbuf_a, sem_a).wait()
      pltpu.async_copy(table.at[src_idx(j0 + 1)], gbuf_b, sem_b)
      pltpu.sync_copy(gbuf_a, shared.at[dst_buf.at[j0]], add=True)
      pltpu.make_async_copy(table.at[src_idx(j0 + 1)], gbuf_b, sem_b).wait()
      pltpu.async_copy(table.at[src_idx(j0 + 2)], gbuf_a, sem_a)
      pltpu.sync_copy(gbuf_b, shared.at[dst_buf.at[j0 + 1]], add=True)
      return carry

    lax.fori_loop(0, (NCHUNK - 1) // 2, pair, 0)
    pltpu.make_async_copy(table.at[src_idx(NCHUNK - 1)], gbuf_a, sem_a).wait()
    pltpu.sync_copy(gbuf_a, shared.at[dst_buf.at[NCHUNK - 1]], add=True)
    plsc.subcore_barrier()

    pltpu.sync_copy(shared.at[pl.ds(s * RPT, RPT)],
                    out.at[c, pl.ds(s * RPT, RPT)])

  scratch = [
      pltpu.VMEM((EPT,), jnp.int32),
      pltpu.VMEM((NCHUNK, K), jnp.int32),
      pltpu.VMEM((K, D), jnp.float32),
      pltpu.VMEM((K, D), jnp.float32),
      pltpu.SemaphoreType.DMA,
      pltpu.SemaphoreType.DMA,
      pltpu.VMEM_SHARED((NP, D), jnp.float32),
  ]

  return pl.kernel(
      body,
      mesh=_mesh,
      out_type=jax.ShapeDtypeStruct((NC, NP, D), jnp.float32),
      scratch_types=scratch,
  )


def _sc_deg_body(dst_p, out, dst_buf, ones_v, zbuf, shared):
  c = lax.axis_index("c")
  s = lax.axis_index("s")
  wid = c * NS + s
  for i in range(K // 16):
    ones_v[pl.ds(i * 16, 16)] = jnp.ones((16,), jnp.float32)

  def zrow(r, carry):
    zbuf[pl.ds(r * 16, 16)] = jnp.zeros((16,), jnp.float32)
    return carry

  lax.fori_loop(0, RPT // 16, zrow, 0)
  pltpu.sync_copy(zbuf, shared.at[pl.ds(s * RPT, RPT)])
  plsc.subcore_barrier()

  pltpu.sync_copy(dst_p.at[wid], dst_buf)

  def chunk(j, carry):
    pltpu.sync_copy(ones_v, shared.at[dst_buf.at[j]], add=True)
    return carry

  lax.fori_loop(0, NCHUNK, chunk, 0)
  plsc.subcore_barrier()
  pltpu.sync_copy(shared.at[pl.ds(s * RPT, RPT)],
                  out.at[c, pl.ds(s * RPT, RPT)])


_sc_deg = pl.kernel(
    _sc_deg_body,
    mesh=_mesh,
    out_type=jax.ShapeDtypeStruct((NC, NP), jnp.float32),
    scratch_types=[
        pltpu.VMEM((NCHUNK, K), jnp.int32),
        pltpu.VMEM((K,), jnp.float32),
        pltpu.VMEM((RPT,), jnp.float32),
        pltpu.VMEM_SHARED((NP,), jnp.float32),
    ],
)


def _tc_mm1(x0_ref, w1_ref, h1_ref):
  h1_ref[...] = jnp.dot(x0_ref[...], w1_ref[...],
                        preferred_element_type=jnp.float32)


def _tc_scale(dp_ref, h1_ref, hp1_ref, dinv_ref):
  deg_row = dp_ref[0:1, 0:N] + dp_ref[1:2, 0:N] + 1.0
  dinv_row = jnp.where(deg_row > 0,
                       lax.rsqrt(jnp.maximum(deg_row, 1e-12)), 0.0)
  dinv = jnp.reshape(dinv_row, (N, 1))
  dinv_ref[...] = dinv
  hp1_ref[...] = h1_ref[...] * dinv


def _tc_mid(ag_ref, hp1_ref, dinv_ref, b1_ref, g_ref, be_ref, w2_ref,
            x1_ref, hp2_ref):
  dinv = dinv_ref[...]
  hp1 = hp1_ref[...]
  t = dinv * (ag_ref[0, 0:N] + ag_ref[1, 0:N] + hp1) + b1_ref[...]
  mean = jnp.mean(t, axis=0, keepdims=True)
  var = jnp.mean((t - mean) ** 2, axis=0, keepdims=True)
  x1 = g_ref[...] * (t - mean) * lax.rsqrt(var + 1e-5) + be_ref[...]
  x1 = jnp.maximum(x1, 0.0)
  x1_ref[...] = x1
  h2 = jnp.dot(x1, w2_ref[...], preferred_element_type=jnp.float32)
  hp2_ref[...] = h2 * dinv


def _tc_post(ag_ref, hp2_ref, dinv_ref, b2_ref, x1_ref, w3_ref, b3_ref,
             out_ref):
  dinv = dinv_ref[...]
  x2 = dinv * (ag_ref[0, 0:N] + ag_ref[1, 0:N] + hp2_ref[...]) + b2_ref[...]
  x4 = (jnp.dot(x1_ref[...], w3_ref[0:D_H, :],
                preferred_element_type=jnp.float32)
        + jnp.dot(x2, w3_ref[D_H:, :], preferred_element_type=jnp.float32)
        + b3_ref[...])
  m = jnp.max(x4, axis=-1, keepdims=True)
  shifted = x4 - m
  lse = jnp.log(jnp.sum(jnp.exp(shifted), axis=-1, keepdims=True))
  out_ref[...] = shifted - lse


def kernel(x0, edge_index, W1, b1, gamma, beta, W2, b2, W3, b3):
  src = edge_index[0].reshape(NW, EPT)
  dst = edge_index[1].reshape(NW, NCHUNK, K)

  sc_agg = _make_sc_agg(D_H)

  deg_parts = _sc_deg(dst)

  h1 = pl.pallas_call(
      _tc_mm1,
      out_shape=jax.ShapeDtypeStruct((N, D_H), jnp.float32),
  )(x0, W1)

  hp1, dinv = pl.pallas_call(
      _tc_scale,
      out_shape=[
          jax.ShapeDtypeStruct((N, D_H), jnp.float32),
          jax.ShapeDtypeStruct((N, 1), jnp.float32),
      ],
  )(deg_parts, h1)

  agg1 = sc_agg(hp1, src, dst)

  x1, hp2 = pl.pallas_call(
      _tc_mid,
      out_shape=[
          jax.ShapeDtypeStruct((N, D_H), jnp.float32),
          jax.ShapeDtypeStruct((N, D_H), jnp.float32),
      ],
  )(agg1, hp1, dinv, b1.reshape(1, D_H), gamma.reshape(1, D_H),
    beta.reshape(1, D_H), W2)

  agg2 = sc_agg(hp2, src, dst)

  out = pl.pallas_call(
      _tc_post,
      out_shape=jax.ShapeDtypeStruct((N, D_OUT), jnp.float32),
  )(agg2, hp2, dinv, b2.reshape(1, D_H), x1, W3, b3.reshape(1, D_OUT))

  return out

# --- scband reference (transcript-rebuilt; emitter-appended) ---
"""Pipeline reference for scband-gnnnetwork-81905026335010 (READ-ONLY COPY).

The authoritative reference and input builder live on the scoring server;
editing this copy changes nothing except your own understanding.
"""

import jax, jax.numpy as jnp
import numpy as np

N = 10000
E = 320000
D_IN = 128
D_H = 128
D_OUT = 40


def gcn_conv(x, src, dst, W, b):
    # PyG GCNConv: add self loops, symmetric normalization, linear transform, scatter-add
    h = x @ W
    loop = jnp.arange(N, dtype=src.dtype)
    s = jnp.concatenate([src, loop])
    d = jnp.concatenate([dst, loop])
    deg = jnp.zeros((N,), h.dtype).at[d].add(1.0)
    dinv = jnp.where(deg > 0, jax.lax.rsqrt(jnp.maximum(deg, 1e-12)), 0.0)
    norm = dinv[s] * dinv[d]
    msg = h[s] * norm[:, None]
    out = jax.ops.segment_sum(msg, d, num_segments=N)
    return out + b


def batch_norm(x, gamma, beta, eps=1e-5):
    # BatchNorm1d in training mode: biased batch statistics
    mean = jnp.mean(x, axis=0)
    var = jnp.mean((x - mean) ** 2, axis=0)
    return gamma * (x - mean) * jax.lax.rsqrt(var + eps) + beta


def setup_inputs(seed: int = 0):
    key = jax.random.key(seed)
    ks = jax.random.split(key, 8)
    x0 = jax.random.normal(ks[0], (N, D_IN), jnp.float32)
    edge_index = jax.random.randint(ks[1], (2, E), 0, N, jnp.int32)
    W1 = jax.random.normal(ks[2], (D_IN, D_H), jnp.float32) * (1.0 / np.sqrt(D_IN))
    b1 = jnp.zeros((D_H,), jnp.float32)
    gamma = jnp.ones((D_H,), jnp.float32)
    beta = jnp.zeros((D_H,), jnp.float32)
    W2 = jax.random.normal(ks[3], (D_H, D_H), jnp.float32) * (1.0 / np.sqrt(D_H))
    b2 = jnp.zeros((D_H,), jnp.float32)
    W3 = jax.random.normal(ks[4], (2 * D_H, D_OUT), jnp.float32) * (1.0 / np.sqrt(2 * D_H))
    b3 = jnp.zeros((D_OUT,), jnp.float32)
    return {"x0": x0, "edge_index": edge_index, "W1": W1, "b1": b1,
            "gamma": gamma, "beta": beta, "W2": W2, "b2": b2, "W3": W3, "b3": b3}


def reference(x0, edge_index, W1, b1, gamma, beta, W2, b2, W3, b3):
    src = edge_index[0]
    dst = edge_index[1]
    x1 = gcn_conv(x0, src, dst, W1, b1)
    x1 = batch_norm(x1, gamma, beta)
    x1 = jax.nn.relu(x1)
    x2 = gcn_conv(x1, src, dst, W2, b2)
    x3 = jnp.concatenate([x1, x2], axis=-1)
    x4 = x3 @ W3 + b3
    return jax.nn.log_softmax(x4, axis=-1)

if __name__ == "__main__":
    import jax
    _d = setup_inputs()
    print(jax.jit(kernel)(*tuple(_d.values())))

</pallas_src>

<mosaic_0001>
#map = affine_map<(d0, d1) -> (0, 0, 0)>
#map1 = affine_map<(d0, d1) -> (0, 0)>
module attributes {stable_mosaic.version = 14 : i64} {
  func.func @_sc_deg_body(%arg0: i32, %arg1: i32, %arg2: memref<32x125x80xi32, #tpu.memory_space<hbm>>, %arg3: memref<2x10240xf32, #tpu.memory_space<hbm>>, %arg4: memref<125x80xi32, #tpu.memory_space<vmem>>, %arg5: memref<80xf32, #tpu.memory_space<vmem>>, %arg6: memref<640xf32, #tpu.memory_space<vmem>>, %arg7: memref<10240xf32, #tpu.memory_space<vmem_shared>>) attributes {dimension_semantics = [#tpu.dimension_semantics<core_parallel>, #tpu.dimension_semantics<subcore_parallel>], iteration_bounds = array<i64: 2, 16>, scalar_prefetch = 0 : i64, scratch_operands = 4 : i64, tpu.core_type = #tpu.core_type<sc_vector_subcore>, window_params = [{transform_indices = #map}, {transform_indices = #map1}]} {
    %mul3A = arith.constant 16 : i32
    %mul3A_0 = arith.muli %arg0, %mul3A : i32
    %add3A = arith.addi %mul3A_0, %arg1 : i32
    %broadcast_in_dim3A = arith.constant 1.000000e+00 : f32
    %broadcast_in_dim3A_1 = vector.broadcast %broadcast_in_dim3A : f32 to vector<16xf32>
    %swap3A = arith.constant 0 : index
    %swap3A_2 = tpu.vector_load %arg5[%swap3A] {strides = array<i32>} : memref<80xf32, #tpu.memory_space<vmem>>, vector<16xf32>,
    %swap3A_3 = vector.shape_cast %swap3A_2 : vector<16xf32> to vector<16xf32>
    %swap3A_4 = vector.shape_cast %broadcast_in_dim3A_1 : vector<16xf32> to vector<16xf32>
    tpu.vector_store %arg5[%swap3A], %swap3A_4 {strides = array<i32>} : memref<80xf32, #tpu.memory_space<vmem>>, vector<16xf32>,
    %broadcast_in_dim3A_5 = arith.constant 1.000000e+00 : f32
    %broadcast_in_dim3A_6 = vector.broadcast %broadcast_in_dim3A_5 : f32 to vector<16xf32>
    %swap3A_7 = arith.constant 16 : index
    %swap3A_8 = tpu.vector_load %arg5[%swap3A_7] {strides = array<i32>} : memref<80xf32, #tpu.memory_space<vmem>>, vector<16xf32>,
    %swap3A_9 = vector.shape_cast %swap3A_8 : vector<16xf32> to vector<16xf32>
    %swap3A_10 = vector.shape_cast %broadcast_in_dim3A_6 : vector<16xf32> to vector<16xf32>
    tpu.vector_store %arg5[%swap3A_7], %swap3A_10 {strides = array<i32>} : memref<80xf32, #tpu.memory_space<vmem>>, vector<16xf32>,
    %broadcast_in_dim3A_11 = arith.constant 1.000000e+00 : f32
    %broadcast_in_dim3A_12 = vector.broadcast %broadcast_in_dim3A_11 : f32 to vector<16xf32>
    %swap3A_13 = arith.constant 32 : index
    %swap3A_14 = tpu.vector_load %arg5[%swap3A_13] {strides = array<i32>} : memref<80xf32, #tpu.memory_space<vmem>>, vector<16xf32>,
    %swap3A_15 = vector.shape_cast %swap3A_14 : vector<16xf32> to vector<16xf32>
    %swap3A_16 = vector.shape_cast %broadcast_in_dim3A_12 : vector<16xf32> to vector<16xf32>
    tpu.vector_store %arg5[%swap3A_13], %swap3A_16 {strides = array<i32>} : memref<80xf32, #tpu.memory_space<vmem>>, vector<16xf32>,
    %broadcast_in_dim3A_17 = arith.constant 1.000000e+00 : f32
    %broadcast_in_dim3A_18 = vector.broadcast %broadcast_in_dim3A_17 : f32 to vector<16xf32>
    %swap3A_19 = arith.constant 48 : index
    %swap3A_20 = tpu.vector_load %arg5[%swap3A_19] {strides = array<i32>} : memref<80xf32, #tpu.memory_space<vmem>>, vector<16xf32>,
    %swap3A_21 = vector.shape_cast %swap3A_20 : vector<16xf32> to vector<16xf32>
    %swap3A_22 = vector.shape_cast %broadcast_in_dim3A_18 : vector<16xf32> to vector<16xf32>
    tpu.vector_store %arg5[%swap3A_19], %swap3A_22 {strides = array<i32>} : memref<80xf32, #tpu.memory_space<vmem>>, vector<16xf32>,
    %broadcast_in_dim3A_23 = arith.constant 1.000000e+00 : f32
    %broadcast_in_dim3A_24 = vector.broadcast %broadcast_in_dim3A_23 : f32 to vector<16xf32>
    %swap3A_25 = arith.constant 64 : index
    %swap3A_26 = tpu.vector_load %arg5[%swap3A_25] {strides = array<i32>} : memref<80xf32, #tpu.memory_space<vmem>>, vector<16xf32>,
    %swap3A_27 = vector.shape_cast %swap3A_26 : vector<16xf32> to vector<16xf32>
    %swap3A_28 = vector.shape_cast %broadcast_in_dim3A_24 : vector<16xf32> to vector<16xf32>
    tpu.vector_store %arg5[%swap3A_25], %swap3A_28 {strides = array<i32>} : memref<80xf32, #tpu.memory_space<vmem>>, vector<16xf32>,
    %scan3A = arith.constant 0 : i32
    %scan3A_29 = arith.constant 0 : i32
    %scan3A_30 = arith.constant 40 : i32
    %scan3A_31 = arith.addi %scan3A_29, %scan3A_30 : i32
    %scan3A_32 = arith.constant 1 : i32
    scf.for %scan3A_47 = %scan3A_29 to %scan3A_31 step %scan3A_32  : i32 {
      %broadcast_in_dim3A_48 = arith.constant 0.000000e+00 : f32
      %broadcast_in_dim3A_49 = vector.broadcast %broadcast_in_dim3A_48 : f32 to vector<16xf32>
      %mul3A_50 = arith.constant 16 : i32
      %mul3A_51 = arith.muli %scan3A_47, %mul3A_50 : i32
      %swap3A_52 = arith.index_cast %mul3A_51 : i32 to index
      %swap3A_53 = tpu.vector_load %arg6[%swap3A_52] {strides = array<i32>} : memref<640xf32, #tpu.memory_space<vmem>>, vector<16xf32>,
      %swap3A_54 = vector.shape_cast %swap3A_53 : vector<16xf32> to vector<16xf32>
      %swap3A_55 = vector.shape_cast %broadcast_in_dim3A_49 : vector<16xf32> to vector<16xf32>
      tpu.vector_store %arg6[%swap3A_52], %swap3A_55 {strides = array<i32>} : memref<640xf32, #tpu.memory_space<vmem>>, vector<16xf32>,
    }
    %scan3A_33 = arith.constant 40 : i32
    %mul3A_34 = arith.constant 640 : i32
    %mul3A_35 = arith.muli %arg1, %mul3A_34 : i32
    "tpu.region"() ({
      %run_scoped3A = tpu.sem_alloc : memref<!tpu.dma_semaphore, #tpu.memory_space<semaphore_mem>>
      %dma_start3A = tpu.memref_slice %arg7[%mul3A_35] : memref<10240xf32, #tpu.memory_space<vmem_shared>> -> memref<640xf32, #tpu.memory_space<vmem_shared>>
      %dma_start3A_47 = tpu.memref_slice %arg7[%mul3A_35] : memref<10240xf32, #tpu.memory_space<vmem_shared>> -> memref<640xf32, #tpu.memory_space<vmem_shared>>
      tpu.enqueue_dma source(%arg6 : memref<640xf32, #tpu.memory_space<vmem>>) target(%dma_start3A_47 : memref<640xf32, #tpu.memory_space<vmem_shared>>) target_semaphore(%run_scoped3A : memref<!tpu.dma_semaphore, #tpu.memory_space<semaphore_mem>>)
      %dma_wait3A = tpu.memref_slice %arg7[%mul3A_35] : memref<10240xf32, #tpu.memory_space<vmem_shared>> -> memref<640xf32, #tpu.memory_space<vmem_shared>>
      %dma_wait3A_48 = tpu.memref_slice %arg7[%mul3A_35] : memref<10240xf32, #tpu.memory_space<vmem_shared>> -> memref<640xf32, #tpu.memory_space<vmem_shared>>
      tpu.wait_dma2 semaphore(%run_scoped3A : memref<!tpu.dma_semaphore, #tpu.memory_space<semaphore_mem>>) src(%arg6 : memref<640xf32, #tpu.memory_space<vmem>>) dst(%dma_wait3A_48 : memref<640xf32, #tpu.memory_space<vmem_shared>>)
      tpu.yield
    }) : () -> ()
    %barrier3A = arith.constant 0 : index
    tpu.barrier barrier_id(%barrier3A)
    "tpu.region"() ({
      %run_scoped3A = tpu.sem_alloc : memref<!tpu.dma_semaphore, #tpu.memory_space<semaphore_mem>>
      %dma_start3A = arith.constant 0 : i32
      %dma_start3A_47 = arith.constant 0 : i32
      %dma_start3A_48 = tpu.memref_slice %arg2[%add3A, %dma_start3A, %dma_start3A_47] : memref<32x125x80xi32, #tpu.memory_space<hbm>> -> memref<1x125x80xi32, #tpu.memory_space<hbm>>
      %dma_start3A_49 = tpu.memref_squeeze %dma_start3A_48 : memref<1x125x80xi32, #tpu.memory_space<hbm>> -> memref<125x80xi32, #tpu.memory_space<hbm>>
      %dma_start3A_50 = arith.constant 0 : i32
      %dma_start3A_51 = arith.constant 0 : i32
      %dma_start3A_52 = tpu.memref_slice %arg2[%add3A, %dma_start3A_50, %dma_start3A_51] : memref<32x125x80xi32, #tpu.memory_space<hbm>> -> memref<1x125x80xi32, #tpu.memory_space<hbm>>
      %dma_start3A_53 = tpu.memref_squeeze %dma_start3A_52 : memref<1x125x80xi32, #tpu.memory_space<hbm>> -> memref<125x80xi32, #tpu.memory_space<hbm>>
      tpu.enqueue_dma source(%dma_start3A_53 : memref<125x80xi32, #tpu.memory_space<hbm>>) target(%arg4 : memref<125x80xi32, #tpu.memory_space<vmem>>) target_semaphore(%run_scoped3A : memref<!tpu.dma_semaphore, #tpu.memory_space<semaphore_mem>>)
      %dma_wait3A = arith.constant 0 : i32
      %dma_wait3A_54 = arith.constant 0 : i32
      %dma_wait3A_55 = tpu.memref_slice %arg2[%add3A, %dma_wait3A, %dma_wait3A_54] : memref<32x125x80xi32, #tpu.memory_space<hbm>> -> memref<1x125x80xi32, #tpu.memory_space<hbm>>
      %dma_wait3A_56 = tpu.memref_squeeze %dma_wait3A_55 : memref<1x125x80xi32, #tpu.memory_space<hbm>> -> memref<125x80xi32, #tpu.memory_space<hbm>>
      %dma_wait3A_57 = arith.constant 0 : i32
      %dma_wait3A_58 = arith.constant 0 : i32
      %dma_wait3A_59 = tpu.memref_slice %arg2[%add3A, %dma_wait3A_57, %dma_wait3A_58] : memref<32x125x80xi32, #tpu.memory_space<hbm>> -> memref<1x125x80xi32, #tpu.memory_space<hbm>>
      %dma_wait3A_60 = tpu.memref_squeeze %dma_wait3A_59 : memref<1x125x80xi32, #tpu.memory_space<hbm>> -> memref<125x80xi32, #tpu.memory_space<hbm>>
      tpu.wait_dma2 semaphore(%run_scoped3A : memref<!tpu.dma_semaphore, #tpu.memory_space<semaphore_mem>>) src(%dma_wait3A_60 : memref<125x80xi32, #tpu.memory_space<hbm>>) dst(%arg4 : memref<125x80xi32, #tpu.memory_space<vmem>>)
      tpu.yield
    }) : () -> ()
    %scan3A_36 = arith.constant 0 : i32
    %scan3A_37 = arith.constant 0 : i32
    %scan3A_38 = arith.constant 125 : i32
    %scan3A_39 = arith.addi %scan3A_37, %scan3A_38 : i32
    %scan3A_40 = arith.constant 1 : i32
    scf.for %scan3A_47 = %scan3A_37 to %scan3A_39 step %scan3A_40  : i32 {
      "tpu.region"() ({
        %run_scoped3A = tpu.sem_alloc : memref<!tpu.dma_semaphore, #tpu.memory_space<semaphore_mem>>
        %dma_start3A = arith.constant 0 : i32
        %dma_start3A_48 = tpu.memref_slice %arg4[%scan3A_47, %dma_start3A] : memref<125x80xi32, #tpu.memory_space<vmem>> -> memref<1x80xi32, #tpu.memory_space<vmem>>
        %dma_start3A_49 = tpu.memref_squeeze %dma_start3A_48 : memref<1x80xi32, #tpu.memory_space<vmem>> -> memref<80xi32, #tpu.memory_space<vmem>>
        %dma_start3A_50 = arith.constant 0 : i32
        %dma_start3A_51 = tpu.memref_slice %arg7[%dma_start3A_50] : memref<10240xf32, #tpu.memory_space<vmem_shared>> -> memref<10240xf32, #tpu.memory_space<vmem_shared>>
        tpu.enqueue_indirect_dma source(%arg5 : memref<80xf32, #tpu.memory_space<vmem>>) target(%dma_start3A_51 : memref<10240xf32, #tpu.memory_space<vmem_shared>>) offsets(%dma_start3A_49 : memref<80xi32, #tpu.memory_space<vmem>>) semaphore(%run_scoped3A : memref<!tpu.dma_semaphore, #tpu.memory_space<semaphore_mem>>) {add = true}
        %dma_wait3A = arith.constant 0 : i32
        %dma_wait3A_52 = tpu.memref_slice %arg4[%scan3A_47, %dma_wait3A] : memref<125x80xi32, #tpu.memory_space<vmem>> -> memref<1x80xi32, #tpu.memory_space<vmem>>
        %dma_wait3A_53 = tpu.memref_squeeze %dma_wait3A_52 : memref<1x80xi32, #tpu.memory_space<vmem>> -> memref<80xi32, #tpu.memory_space<vmem>>
        %dma_wait3A_54 = arith.constant 0 : i32
        %dma_wait3A_55 = tpu.memref_slice %arg7[%dma_wait3A_54] : memref<10240xf32, #tpu.memory_space<vmem_shared>> -> memref<10240xf32, #tpu.memory_space<vmem_shared>>
        tpu.wait_indirect_dma semaphore(%run_scoped3A : memref<!tpu.dma_semaphore, #tpu.memory_space<semaphore_mem>>) src(%arg5 : memref<80xf32, #tpu.memory_space<vmem>>) dst(%dma_wait3A_55 : memref<10240xf32, #tpu.memory_space<vmem_shared>>)
        tpu.yield
      }) : () -> ()
    }
    %scan3A_41 = arith.constant 125 : i32
    %barrier3A_42 = arith.constant 0 : index
    tpu.barrier barrier_id(%barrier3A_42)
    %mul3A_43 = arith.constant 640 : i32
    %mul3A_44 = arith.muli %arg1, %mul3A_43 : i32
    %mul3A_45 = arith.constant 640 : i32
    %mul3A_46 = arith.muli %arg1, %mul3A_45 : i32
    "tpu.region"() ({
      %run_scoped3A = tpu.sem_alloc : memref<!tpu.dma_semaphore, #tpu.memory_space<semaphore_mem>>
      %dma_start3A = tpu.memref_slice %arg3[%arg0, %mul3A_46] : memref<2x10240xf32, #tpu.memory_space<hbm>> -> memref<1x640xf32, #tpu.memory_space<hbm>>
      %dma_start3A_47 = tpu.memref_squeeze %dma_start3A : memref<1x640xf32, #tpu.memory_space<hbm>> -> memref<640xf32, #tpu.memory_space<hbm>>
      %dma_start3A_48 = tpu.memref_slice %arg7[%mul3A_44] : memref<10240xf32, #tpu.memory_space<vmem_shared>> -> memref<640xf32, #tpu.memory_space<vmem_shared>>
      tpu.enqueue_dma source(%dma_start3A_48 : memref<640xf32, #tpu.memory_space<vmem_shared>>) target(%dma_start3A_47 : memref<640xf32, #tpu.memory_space<hbm>>) target_semaphore(%run_scoped3A : memref<!tpu.dma_semaphore, #tpu.memory_space<semaphore_mem>>)
      %dma_wait3A = tpu.memref_slice %arg3[%arg0, %mul3A_46] : memref<2x10240xf32, #tpu.memory_space<hbm>> -> memref<1x640xf32, #tpu.memory_space<hbm>>
      %dma_wait3A_49 = tpu.memref_squeeze %dma_wait3A : memref<1x640xf32, #tpu.memory_space<hbm>> -> memref<640xf32, #tpu.memory_space<hbm>>
      %dma_wait3A_50 = tpu.memref_slice %arg7[%mul3A_44] : memref<10240xf32, #tpu.memory_space<vmem_shared>> -> memref<640xf32, #tpu.memory_space<vmem_shared>>
      tpu.wait_dma2 semaphore(%run_scoped3A : memref<!tpu.dma_semaphore, #tpu.memory_space<semaphore_mem>>) src(%dma_wait3A_50 : memref<640xf32, #tpu.memory_space<vmem_shared>>) dst(%dma_wait3A_49 : memref<640xf32, #tpu.memory_space<hbm>>)
      tpu.yield
    }) : () -> ()
    return
  }
}

#map = affine_map<(d0, d1) -> (0, 0)>
#map1 = affine_map<(d0, d1) -> (0, 0, 0)>
module attributes {stable_mosaic.version = 14 : i64} {
  func.func @body(%arg0: i32, %arg1: i32, %arg2: memref<10000x128xf32, #tpu.memory_space<hbm>>, %arg3: memref<32x10000xi32, #tpu.memory_space<hbm>>, %arg4: memref<32x125x80xi32, #tpu.memory_space<hbm>>, %arg5: memref<2x10240x128xf32, #tpu.memory_space<hbm>>, %arg6: memref<10000xi32, #tpu.memory_space<vmem>>, %arg7: memref<125x80xi32, #tpu.memory_space<vmem>>, %arg8: memref<80x128xf32, #tpu.memory_space<vmem>>, %arg9: memref<80x128xf32, #tpu.memory_space<vmem>>, %arg10: memref<!tpu.dma_semaphore, #tpu.memory_space<semaphore_mem>>, %arg11: memref<!tpu.dma_semaphore, #tpu.memory_space<semaphore_mem>>, %arg12: memref<10240x128xf32, #tpu.memory_space<vmem_shared>>) attributes {dimension_semantics = [#tpu.dimension_semantics<core_parallel>, #tpu.dimension_semantics<subcore_parallel>], iteration_bounds = array<i64: 2, 16>, scalar_prefetch = 0 : i64, scratch_operands = 7 : i64, tpu.core_type = #tpu.core_type<sc_vector_subcore>, window_params = [{transform_indices = #map}, {transform_indices = #map}, {transform_indices = #map1}, {transform_indices = #map1}]} {
    %mul3A = arith.constant 16 : i32
    %mul3A_0 = arith.muli %arg0, %mul3A : i32
    %add3A = arith.addi %mul3A_0, %arg1 : i32
    %scan3A = arith.constant 0 : i32
    %scan3A_1 = arith.constant 0 : i32
    %scan3A_2 = arith.constant 80 : i32
    %scan3A_3 = arith.addi %scan3A_1, %scan3A_2 : i32
    %scan3A_4 = arith.constant 1 : i32
    scf.for %scan3A_153 = %scan3A_1 to %scan3A_3 step %scan3A_4  : i32 {
      %broadcast_in_dim3A = arith.constant 0.000000e+00 : f32
      %broadcast_in_dim3A_154 = vector.broadcast %broadcast_in_dim3A : f32 to vector<16xf32>
      %swap3A = arith.index_cast %scan3A_153 : i32 to index
      %swap3A_155 = arith.constant 0 : index
      %swap3A_156 = tpu.vector_load %arg8[%swap3A, %swap3A_155] {strides = array<i32>} : memref<80x128xf32, #tpu.memory_space<vmem>>, vector<1x16xf32>,
      %swap3A_157 = vector.shape_cast %swap3A_156 : vector<1x16xf32> to vector<16xf32>
      %swap3A_158 = vector.shape_cast %broadcast_in_dim3A_154 : vector<16xf32> to vector<1x16xf32>
      tpu.vector_store %arg8[%swap3A, %swap3A_155], %swap3A_158 {strides = array<i32>} : memref<80x128xf32, #tpu.memory_space<vmem>>, vector<1x16xf32>,
      %broadcast_in_dim3A_159 = arith.constant 0.000000e+00 : f32
      %broadcast_in_dim3A_160 = vector.broadcast %broadcast_in_dim3A_159 : f32 to vector<16xf32>
      %swap3A_161 = arith.index_cast %scan3A_153 : i32 to index
      %swap3A_162 = arith.constant 16 : index
      %swap3A_163 = tpu.vector_load %arg8[%swap3A_161, %swap3A_162] {strides = array<i32>} : memref<80x128xf32, #tpu.memory_space<vmem>>, vector<1x16xf32>,
      %swap3A_164 = vector.shape_cast %swap3A_163 : vector<1x16xf32> to vector<16xf32>
      %swap3A_165 = vector.shape_cast %broadcast_in_dim3A_160 : vector<16xf32> to vector<1x16xf32>
      tpu.vector_store %arg8[%swap3A_161, %swap3A_162], %swap3A_165 {strides = array<i32>} : memref<80x128xf32, #tpu.memory_space<vmem>>, vector<1x16xf32>,
      %broadcast_in_dim3A_166 = arith.constant 0.000000e+00 : f32
      %broadcast_in_dim3A_167 = vector.broadcast %broadcast_in_dim3A_166 : f32 to vector<16xf32>
      %swap3A_168 = arith.index_cast %scan3A_153 : i32 to index
      %swap3A_169 = arith.constant 32 : index
      %swap3A_170 = tpu.vector_load %arg8[%swap3A_168, %swap3A_169] {strides = array<i32>} : memref<80x128xf32, #tpu.memory_space<vmem>>, vector<1x16xf32>,
      %swap3A_171 = vector.shape_cast %swap3A_170 : vector<1x16xf32> to vector<16xf32>
      %swap3A_172 = vector.shape_cast %broadcast_in_dim3A_167 : vector<16xf32> to vector<1x16xf32>
      tpu.vector_store %arg8[%swap3A_168, %swap3A_169], %swap3A_172 {strides = array<i32>} : memref<80x128xf32, #tpu.memory_space<vmem>>, vector<1x16xf32>,
      %broadcast_in_dim3A_173 = arith.constant 0.000000e+00 : f32
      %broadcast_in_dim3A_174 = vector.broadcast %broadcast_in_dim3A_173 : f32 to vector<16xf32>
      %swap3A_175 = arith.index_cast %scan3A_153 : i32 to index
      %swap3A_176 = arith.constant 48 : index
      %swap3A_177 = tpu.vector_load %arg8[%swap3A_175, %swap3A_176] {strides = array<i32>} : memref<80x128xf32, #tpu.memory_space<vmem>>, vector<1x16xf32>,
      %swap3A_178 = vector.shape_cast %swap3A_177 : vector<1x16xf32> to vector<16xf32>
      %swap3A_179 = vector.shape_cast %broadcast_in_dim3A_174 : vector<16xf32> to vector<1x16xf32>
      tpu.vector_store %arg8[%swap3A_175, %swap3A_176], %swap3A_179 {strides = array<i32>} : memref<80x128xf32, #tpu.memory_space<vmem>>, vector<1x16xf32>,
      %broadcast_in_dim3A_180 = arith.constant 0.000000e+00 : f32
      %broadcast_in_dim3A_181 = vector.broadcast %broadcast_in_dim3A_180 : f32 to vector<16xf32>
      %swap3A_182 = arith.index_cast %scan3A_153 : i32 to index
      %swap3A_183 = arith.constant 64 : index
      %swap3A_184 = tpu.vector_load %arg8[%swap3A_182, %swap3A_183] {strides = array<i32>} : memref<80x128xf32, #tpu.memory_space<vmem>>, vector<1x16xf32>,
      %swap3A_185 = vector.shape_cast %swap3A_184 : vector<1x16xf32> to vector<16xf32>
      %swap3A_186 = vector.shape_cast %broadcast_in_dim3A_181 : vector<16xf32> to vector<1x16xf32>
      tpu.vector_store %arg8[%swap3A_182, %swap3A_183], %swap3A_186 {strides = array<i32>} : memref<80x128xf32, #tpu.memory_space<vmem>>, vector<1x16xf32>,
      %broadcast_in_dim3A_187 = arith.constant 0.000000e+00 : f32
      %broadcast_in_dim3A_188 = vector.broadcast %broadcast_in_dim3A_187 : f32 to vector<16xf32>
      %swap3A_189 = arith.index_cast %scan3A_153 : i32 to index
      %swap3A_190 = arith.constant 80 : index
      %swap3A_191 = tpu.vector_load %arg8[%swap3A_189, %swap3A_190] {strides = array<i32>} : memref<80x128xf32, #tpu.memory_space<vmem>>, vector<1x16xf32>,
      %swap3A_192 = vector.shape_cast %swap3A_191 : vector<1x16xf32> to vector<16xf32>
      %swap3A_193 = vector.shape_cast %broadcast_in_dim3A_188 : vector<16xf32> to vector<1x16xf32>
      tpu.vector_store %arg8[%swap3A_189, %swap3A_190], %swap3A_193 {strides = array<i32>} : memref<80x128xf32, #tpu.memory_space<vmem>>, vector<1x16xf32>,
      %broadcast_in_dim3A_194 = arith.constant 0.000000e+00 : f32
      %broadcast_in_dim3A_195 = vector.broadcast %broadcast_in_dim3A_194 : f32 to vector<16xf32>
      %swap3A_196 = arith.index_cast %scan3A_153 : i32 to index
      %swap3A_197 = arith.constant 96 : index
      %swap3A_198 = tpu.vector_load %arg8[%swap3A_196, %swap3A_197] {strides = array<i32>} : memref<80x128xf32, #tpu.memory_space<vmem>>, vector<1x16xf32>,
      %swap3A_199 = vector.shape_cast %swap3A_198 : vector<1x16xf32> to vector<16xf32>
      %swap3A_200 = vector.shape_cast %broadcast_in_dim3A_195 : vector<16xf32> to vector<1x16xf32>
      tpu.vector_store %arg8[%swap3A_196, %swap3A_197], %swap3A_200 {strides = array<i32>} : memref<80x128xf32, #tpu.memory_space<vmem>>, vector<1x16xf32>,
      %broadcast_in_dim3A_201 = arith.constant 0.000000e+00 : f32
      %broadcast_in_dim3A_202 = vector.broadcast %broadcast_in_dim3A_201 : f32 to vector<16xf32>
      %swap3A_203 = arith.index_cast %scan3A_153 : i32 to index
      %swap3A_204 = arith.constant 112 : index
      %swap3A_205 = tpu.vector_load %arg8[%swap3A_203, %swap3A_204] {strides = array<i32>} : memref<80x128xf32, #tpu.memory_space<vmem>>, vector<1x16xf32>,
      %swap3A_206 = vector.shape_cast %swap3A_205 : vector<1x16xf32> to vector<16xf32>
      %swap3A_207 = vector.shape_cast %broadcast_in_dim3A_202 : vector<16xf32> to vector<1x16xf32>
      tpu.vector_store %arg8[%swap3A_203, %swap3A_204], %swap3A_207 {strides = array<i32>} : memref<80x128xf32, #tpu.memory_space<vmem>>, vector<1x16xf32>,
    }
    %scan3A_5 = arith.constant 80 : i32
    %mul3A_6 = arith.constant 640 : i32
    %mul3A_7 = arith.muli %arg1, %mul3A_6 : i32
    %add3A_8 = arith.constant 0 : i32
    %add3A_9 = arith.addi %mul3A_7, %add3A_8 : i32
    %dma_start3A = arith.constant 0 : i32
    %dma_start3A_10 = tpu.memref_slice %arg12[%add3A_9, %dma_start3A] : memref<10240x128xf32, #tpu.memory_space<vmem_shared>> -> memref<80x128xf32, #tpu.memory_space<vmem_shared>>
    %dma_start3A_11 = arith.constant 0 : i32
    %dma_start3A_12 = tpu.memref_slice %arg12[%add3A_9, %dma_start3A_11] : memref<10240x128xf32, #tpu.memory_space<vmem_shared>> -> memref<80x128xf32, #tpu.memory_space<vmem_shared>>
    tpu.enqueue_dma source(%arg8 : memref<80x128xf32, #tpu.memory_space<vmem>>) target(%dma_start3A_12 : memref<80x128xf32, #tpu.memory_space<vmem_shared>>) target_semaphore(%arg10 : memref<!tpu.dma_semaphore, #tpu.memory_space<semaphore_mem>>)
    %mul3A_13 = arith.constant 640 : i32
    %mul3A_14 = arith.muli %arg1, %mul3A_13 : i32
    %add3A_15 = arith.constant 80 : i32
    %add3A_16 = arith.addi %mul3A_14, %add3A_15 : i32
    %dma_start3A_17 = arith.constant 0 : i32
    %dma_start3A_18 = tpu.memref_slice %arg12[%add3A_16, %dma_start3A_17] : memref<10240x128xf32, #tpu.memory_space<vmem_shared>> -> memref<80x128xf32, #tpu.memory_space<vmem_shared>>
    %dma_start3A_19 = arith.constant 0 : i32
    %dma_start3A_20 = tpu.memref_slice %arg12[%add3A_16, %dma_start3A_19] : memref<10240x128xf32, #tpu.memory_space<vmem_shared>> -> memref<80x128xf32, #tpu.memory_space<vmem_shared>>
    tpu.enqueue_dma source(%arg8 : memref<80x128xf32, #tpu.memory_space<vmem>>) target(%dma_start3A_20 : memref<80x128xf32, #tpu.memory_space<vmem_shared>>) target_semaphore(%arg10 : memref<!tpu.dma_semaphore, #tpu.memory_space<semaphore_mem>>)
    %mul3A_21 = arith.constant 640 : i32
    %mul3A_22 = arith.muli %arg1, %mul3A_21 : i32
    %add3A_23 = arith.constant 160 : i32
    %add3A_24 = arith.addi %mul3A_22, %add3A_23 : i32
    %dma_start3A_25 = arith.constant 0 : i32
    %dma_start3A_26 = tpu.memref_slice %arg12[%add3A_24, %dma_start3A_25] : memref<10240x128xf32, #tpu.memory_space<vmem_shared>> -> memref<80x128xf32, #tpu.memory_space<vmem_shared>>
    %dma_start3A_27 = arith.constant 0 : i32
    %dma_start3A_28 = tpu.memref_slice %arg12[%add3A_24, %dma_start3A_27] : memref<10240x128xf32, #tpu.memory_space<vmem_shared>> -> memref<80x128xf32, #tpu.memory_space<vmem_shared>>
    tpu.enqueue_dma source(%arg8 : memref<80x128xf32, #tpu.memory_space<vmem>>) target(%dma_start3A_28 : memref<80x128xf32, #tpu.memory_space<vmem_shared>>) target_semaphore(%arg10 : memref<!tpu.dma_semaphore, #tpu.memory_space<semaphore_mem>>)
    %mul3A_29 = arith.constant 640 : i32
    %mul3A_30 = arith.muli %arg1, %mul3A_29 : i32
    %add3A_31 = arith.constant 240 : i32
    %add3A_32 = arith.addi %mul3A_30, %add3A_31 : i32
    %dma_start3A_33 = arith.constant 0 : i32
    %dma_start3A_34 = tpu.memref_slice %arg12[%add3A_32, %dma_start3A_33] : memref<10240x128xf32, #tpu.memory_space<vmem_shared>> -> memref<80x128xf32, #tpu.memory_space<vmem_shared>>
    %dma_start3A_35 = arith.constant 0 : i32
    %dma_start3A_36 = tpu.memref_slice %arg12[%add3A_32, %dma_start3A_35] : memref<10240x128xf32, #tpu.memory_space<vmem_shared>> -> memref<80x128xf32, #tpu.memory_space<vmem_shared>>
    tpu.enqueue_dma source(%arg8 : memref<80x128xf32, #tpu.memory_space<vmem>>) target(%dma_start3A_36 : memref<80x128xf32, #tpu.memory_space<vmem_shared>>) target_semaphore(%arg10 : memref<!tpu.dma_semaphore, #tpu.memory_space<semaphore_mem>>)
    %mul3A_37 = arith.constant 640 : i32
    %mul3A_38 = arith.muli %arg1, %mul3A_37 : i32
    %add3A_39 = arith.constant 320 : i32
    %add3A_40 = arith.addi %mul3A_38, %add3A_39 : i32
    %dma_start3A_41 = arith.constant 0 : i32
    %dma_start3A_42 = tpu.memref_slice %arg12[%add3A_40, %dma_start3A_41] : memref<10240x128xf32, #tpu.memory_space<vmem_shared>> -> memref<80x128xf32, #tpu.memory_space<vmem_shared>>
    %dma_start3A_43 = arith.constant 0 : i32
    %dma_start3A_44 = tpu.memref_slice %arg12[%add3A_40, %dma_start3A_43] : memref<10240x128xf32, #tpu.memory_space<vmem_shared>> -> memref<80x128xf32, #tpu.memory_space<vmem_shared>>
    tpu.enqueue_dma source(%arg8 : memref<80x128xf32, #tpu.memory_space<vmem>>) target(%dma_start3A_44 : memref<80x128xf32, #tpu.memory_space<vmem_shared>>) target_semaphore(%arg10 : memref<!tpu.dma_semaphore, #tpu.memory_space<semaphore_mem>>)
    %mul3A_45 = arith.constant 640 : i32
    %mul3A_46 = arith.muli %arg1, %mul3A_45 : i32
    %add3A_47 = arith.constant 400 : i32
    %add3A_48 = arith.addi %mul3A_46, %add3A_47 : i32
    %dma_start3A_49 = arith.constant 0 : i32
    %dma_start3A_50 = tpu.memref_slice %arg12[%add3A_48, %dma_start3A_49] : memref<10240x128xf32, #tpu.memory_space<vmem_shared>> -> memref<80x128xf32, #tpu.memory_space<vmem_shared>>
    %dma_start3A_51 = arith.constant 0 : i32
    %dma_start3A_52 = tpu.memref_slice %arg12[%add3A_48, %dma_start3A_51] : memref<10240x128xf32, #tpu.memory_space<vmem_shared>> -> memref<80x128xf32, #tpu.memory_space<vmem_shared>>
    tpu.enqueue_dma source(%arg8 : memref<80x128xf32, #tpu.memory_space<vmem>>) target(%dma_start3A_52 : memref<80x128xf32, #tpu.memory_space<vmem_shared>>) target_semaphore(%arg10 : memref<!tpu.dma_semaphore, #tpu.memory_space<semaphore_mem>>)
    %mul3A_53 = arith.constant 640 : i32
    %mul3A_54 = arith.muli %arg1, %mul3A_53 : i32
    %add3A_55 = arith.constant 480 : i32
    %add3A_56 = arith.addi %mul3A_54, %add3A_55 : i32
    %dma_start3A_57 = arith.constant 0 : i32
    %dma_start3A_58 = tpu.memref_slice %arg12[%add3A_56, %dma_start3A_57] : memref<10240x128xf32, #tpu.memory_space<vmem_shared>> -> memref<80x128xf32, #tpu.memory_space<vmem_shared>>
    %dma_start3A_59 = arith.constant 0 : i32
    %dma_start3A_60 = tpu.memref_slice %arg12[%add3A_56, %dma_start3A_59] : memref<10240x128xf32, #tpu.memory_space<vmem_shared>> -> memref<80x128xf32, #tpu.memory_space<vmem_shared>>
    tpu.enqueue_dma source(%arg8 : memref<80x128xf32, #tpu.memory_space<vmem>>) target(%dma_start3A_60 : memref<80x128xf32, #tpu.memory_space<vmem_shared>>) target_semaphore(%arg10 : memref<!tpu.dma_semaphore, #tpu.memory_space<semaphore_mem>>)
    %mul3A_61 = arith.constant 640 : i32
    %mul3A_62 = arith.muli %arg1, %mul3A_61 : i32
    %add3A_63 = arith.constant 560 : i32
    %add3A_64 = arith.addi %mul3A_62, %add3A_63 : i32
    %dma_start3A_65 = arith.constant 0 : i32
    %dma_start3A_66 = tpu.memref_slice %arg12[%add3A_64, %dma_start3A_65] : memref<10240x128xf32, #tpu.memory_space<vmem_shared>> -> memref<80x128xf32, #tpu.memory_space<vmem_shared>>
    %dma_start3A_67 = arith.constant 0 : i32
    %dma_start3A_68 = tpu.memref_slice %arg12[%add3A_64, %dma_start3A_67] : memref<10240x128xf32, #tpu.memory_space<vmem_shared>> -> memref<80x128xf32, #tpu.memory_space<vmem_shared>>
    tpu.enqueue_dma source(%arg8 : memref<80x128xf32, #tpu.memory_space<vmem>>) target(%dma_start3A_68 : memref<80x128xf32, #tpu.memory_space<vmem_shared>>) target_semaphore(%arg10 : memref<!tpu.dma_semaphore, #tpu.memory_space<semaphore_mem>>)
    %mul3A_69 = arith.constant 640 : i32
    %mul3A_70 = arith.muli %arg1, %mul3A_69 : i32
    %add3A_71 = arith.constant 0 : i32
    %add3A_72 = arith.addi %mul3A_70, %add3A_71 : i32
    %dma_wait3A = arith.constant 0 : i32
    %dma_wait3A_73 = tpu.memref_slice %arg12[%add3A_72, %dma_wait3A] : memref<10240x128xf32, #tpu.memory_space<vmem_shared>> -> memref<80x128xf32, #tpu.memory_space<vmem_shared>>
    %dma_wait3A_74 = arith.constant 0 : i32
    %dma_wait3A_75 = tpu.memref_slice %arg12[%add3A_72, %dma_wait3A_74] : memref<10240x128xf32, #tpu.memory_space<vmem_shared>> -> memref<80x128xf32, #tpu.memory_space<vmem_shared>>
    tpu.wait_dma2 semaphore(%arg10 : memref<!tpu.dma_semaphore, #tpu.memory_space<semaphore_mem>>) src(%arg8 : memref<80x128xf32, #tpu.memory_space<vmem>>) dst(%dma_wait3A_75 : memref<80x128xf32, #tpu.memory_space<vmem_shared>>)
    %mul3A_76 = arith.constant 640 : i32
    %mul3A_77 = arith.muli %arg1, %mul3A_76 : i32
    %add3A_78 = arith.constant 80 : i32
    %add3A_79 = arith.addi %mul3A_77, %add3A_78 : i32
    %dma_wait3A_80 = arith.constant 0 : i32
    %dma_wait3A_81 = tpu.memref_slice %arg12[%add3A_79, %dma_wait3A_80] : memref<10240x128xf32, #tpu.memory_space<vmem_shared>> -> memref<80x128xf32, #tpu.memory_space<vmem_shared>>
    %dma_wait3A_82 = arith.constant 0 : i32
    %dma_wait3A_83 = tpu.memref_slice %arg12[%add3A_79, %dma_wait3A_82] : memref<10240x128xf32, #tpu.memory_space<vmem_shared>> -> memref<80x128xf32, #tpu.memory_space<vmem_shared>>
    tpu.wait_dma2 semaphore(%arg10 : memref<!tpu.dma_semaphore, #tpu.memory_space<semaphore_mem>>) src(%arg8 : memref<80x128xf32, #tpu.memory_space<vmem>>) dst(%dma_wait3A_83 : memref<80x128xf32, #tpu.memory_space<vmem_shared>>)
    %mul3A_84 = arith.constant 640 : i32
    %mul3A_85 = arith.muli %arg1, %mul3A_84 : i32
    %add3A_86 = arith.constant 160 : i32
    %add3A_87 = arith.addi %mul3A_85, %add3A_86 : i32
    %dma_wait3A_88 = arith.constant 0 : i32
    %dma_wait3A_89 = tpu.memref_slice %arg12[%add3A_87, %dma_wait3A_88] : memref<10240x128xf32, #tpu.memory_space<vmem_shared>> -> memref<80x128xf32, #tpu.memory_space<vmem_shared>>
    %dma_wait3A_90 = arith.constant 0 : i32
    %dma_wait3A_91 = tpu.memref_slice %arg12[%add3A_87, %dma_wait3A_90] : memref<10240x128xf32, #tpu.memory_space<vmem_shared>> -> memref<80x128xf32, #tpu.memory_space<vmem_shared>>
    tpu.wait_dma2 semaphore(%arg10 : memref<!tpu.dma_semaphore, #tpu.memory_space<semaphore_mem>>) src(%arg8 : memref<80x128xf32, #tpu.memory_space<vmem>>) dst(%dma_wait3A_91 : memref<80x128xf32, #tpu.memory_space<vmem_shared>>)
    %mul3A_92 = arith.constant 640 : i32
    %mul3A_93 = arith.muli %arg1, %mul3A_92 : i32
    %add3A_94 = arith.constant 240 : i32
    %add3A_95 = arith.addi %mul3A_93, %add3A_94 : i32
    %dma_wait3A_96 = arith.constant 0 : i32
    %dma_wait3A_97 = tpu.memref_slice %arg12[%add3A_95, %dma_wait3A_96] : memref<10240x128xf32, #tpu.memory_space<vmem_shared>> -> memref<80x128xf32, #tpu.memory_space<vmem_shared>>
    %dma_wait3A_98 = arith.constant 0 : i32
    %dma_wait3A_99 = tpu.memref_slice %arg12[%add3A_95, %dma_wait3A_98] : memref<10240x128xf32, #tpu.memory_space<vmem_shared>> -> memref<80x128xf32, #tpu.memory_space<vmem_shared>>
    tpu.wait_dma2 semaphore(%arg10 : memref<!tpu.dma_semaphore, #tpu.memory_space<semaphore_mem>>) src(%arg8 : memref<80x128xf32, #tpu.memory_space<vmem>>) dst(%dma_wait3A_99 : memref<80x128xf32, #tpu.memory_space<vmem_shared>>)
    %mul3A_100 = arith.constant 640 : i32
    %mul3A_101 = arith.muli %arg1, %mul3A_100 : i32
    %add3A_102 = arith.constant 320 : i32
    %add3A_103 = arith.addi %mul3A_101, %add3A_102 : i32
    %dma_wait3A_104 = arith.constant 0 : i32
    %dma_wait3A_105 = tpu.memref_slice %arg12[%add3A_103, %dma_wait3A_104] : memref<10240x128xf32, #tpu.memory_space<vmem_shared>> -> memref<80x128xf32, #tpu.memory_space<vmem_shared>>
    %dma_wait3A_106 = arith.constant 0 : i32
    %dma_wait3A_107 = tpu.memref_slice %arg12[%add3A_103, %dma_wait3A_106] : memref<10240x128xf32, #tpu.memory_space<vmem_shared>> -> memref<80x128xf32, #tpu.memory_space<vmem_shared>>
    tpu.wait_dma2 semaphore(%arg10 : memref<!tpu.dma_semaphore, #tpu.memory_space<semaphore_mem>>) src(%arg8 : memref<80x128xf32, #tpu.memory_space<vmem>>) dst(%dma_wait3A_107 : memref<80x128xf32, #tpu.memory_space<vmem_shared>>)
    %mul3A_108 = arith.constant 640 : i32
    %mul3A_109 = arith.muli %arg1, %mul3A_108 : i32
    %add3A_110 = arith.constant 400 : i32
    %add3A_111 = arith.addi %mul3A_109, %add3A_110 : i32
    %dma_wait3A_112 = arith.constant 0 : i32
    %dma_wait3A_113 = tpu.memref_slice %arg12[%add3A_111, %dma_wait3A_112] : memref<10240x128xf32, #tpu.memory_space<vmem_shared>> -> memref<80x128xf32, #tpu.memory_space<vmem_shared>>
    %dma_wait3A_114 = arith.constant 0 : i32
    %dma_wait3A_115 = tpu.memref_slice %arg12[%add3A_111, %dma_wait3A_114] : memref<10240x128xf32, #tpu.memory_space<vmem_shared>> -> memref<80x128xf32, #tpu.memory_space<vmem_shared>>
    tpu.wait_dma2 semaphore(%arg10 : memref<!tpu.dma_semaphore, #tpu.memory_space<semaphore_mem>>) src(%arg8 : memref<80x128xf32, #tpu.memory_space<vmem>>) dst(%dma_wait3A_115 : memref<80x128xf32, #tpu.memory_space<vmem_shared>>)
    %mul3A_116 = arith.constant 640 : i32
    %mul3A_117 = arith.muli %arg1, %mul3A_116 : i32
    %add3A_118 = arith.constant 480 : i32
    %add3A_119 = arith.addi %mul3A_117, %add3A_118 : i32
    %dma_wait3A_120 = arith.constant 0 : i32
    %dma_wait3A_121 = tpu.memref_slice %arg12[%add3A_119, %dma_wait3A_120] : memref<10240x128xf32, #tpu.memory_space<vmem_shared>> -> memref<80x128xf32, #tpu.memory_space<vmem_shared>>
    %dma_wait3A_122 = arith.constant 0 : i32
    %dma_wait3A_123 = tpu.memref_slice %arg12[%add3A_119, %dma_wait3A_122] : memref<10240x128xf32, #tpu.memory_space<vmem_shared>> -> memref<80x128xf32, #tpu.memory_space<vmem_shared>>
    tpu.wait_dma2 semaphore(%arg10 : memref<!tpu.dma_semaphore, #tpu.memory_space<semaphore_mem>>) src(%arg8 : memref<80x128xf32, #tpu.memory_space<vmem>>) dst(%dma_wait3A_123 : memref<80x128xf32, #tpu.memory_space<vmem_shared>>)
    %mul3A_124 = arith.constant 640 : i32
    %mul3A_125 = arith.muli %arg1, %mul3A_124 : i32
    %add3A_126 = arith.constant 560 : i32
    %add3A_127 = arith.addi %mul3A_125, %add3A_126 : i32
    %dma_wait3A_128 = arith.constant 0 : i32
    %dma_wait3A_129 = tpu.memref_slice %arg12[%add3A_127, %dma_wait3A_128] : memref<10240x128xf32, #tpu.memory_space<vmem_shared>> -> memref<80x128xf32, #tpu.memory_space<vmem_shared>>
    %dma_wait3A_130 = arith.constant 0 : i32
    %dma_wait3A_131 = tpu.memref_slice %arg12[%add3A_127, %dma_wait3A_130] : memref<10240x128xf32, #tpu.memory_space<vmem_shared>> -> memref<80x128xf32, #tpu.memory_space<vmem_shared>>
    tpu.wait_dma2 semaphore(%arg10 : memref<!tpu.dma_semaphore, #tpu.memory_space<semaphore_mem>>) src(%arg8 : memref<80x128xf32, #tpu.memory_space<vmem>>) dst(%dma_wait3A_131 : memref<80x128xf32, #tpu.memory_space<vmem_shared>>)
    %barrier3A = arith.constant 0 : index
    tpu.barrier barrier_id(%barrier3A)
    "tpu.region"() ({
      %run_scoped3A_153 = tpu.sem_alloc : memref<!tpu.dma_semaphore, #tpu.memory_space<semaphore_mem>>
      %dma_start3A_154 = arith.constant 0 : i32
      %dma_start3A_155 = tpu.memref_slice %arg3[%add3A, %dma_start3A_154] : memref<32x10000xi32, #tpu.memory_space<hbm>> -> memref<1x10000xi32, #tpu.memory_space<hbm>>
      %dma_start3A_156 = tpu.memref_squeeze %dma_start3A_155 : memref<1x10000xi32, #tpu.memory_space<hbm>> -> memref<10000xi32, #tpu.memory_space<hbm>>
      %dma_start3A_157 = arith.constant 0 : i32
      %dma_start3A_158 = tpu.memref_slice %arg3[%add3A, %dma_start3A_157] : memref<32x10000xi32, #tpu.memory_space<hbm>> -> memref<1x10000xi32, #tpu.memory_space<hbm>>
      %dma_start3A_159 = tpu.memref_squeeze %dma_start3A_158 : memref<1x10000xi32, #tpu.memory_space<hbm>> -> memref<10000xi32, #tpu.memory_space<hbm>>
      tpu.enqueue_dma source(%dma_start3A_159 : memref<10000xi32, #tpu.memory_space<hbm>>) target(%arg6 : memref<10000xi32, #tpu.memory_space<vmem>>) target_semaphore(%run_scoped3A_153 : memref<!tpu.dma_semaphore, #tpu.memory_space<semaphore_mem>>)
      %dma_wait3A_160 = arith.constant 0 : i32
      %dma_wait3A_161 = tpu.memref_slice %arg3[%add3A, %dma_wait3A_160] : memref<32x10000xi32, #tpu.memory_space<hbm>> -> memref<1x10000xi32, #tpu.memory_space<hbm>>
      %dma_wait3A_162 = tpu.memref_squeeze %dma_wait3A_161 : memref<1x10000xi32, #tpu.memory_space<hbm>> -> memref<10000xi32, #tpu.memory_space<hbm>>
      %dma_wait3A_163 = arith.constant 0 : i32
      %dma_wait3A_164 = tpu.memref_slice %arg3[%add3A, %dma_wait3A_163] : memref<32x10000xi32, #tpu.memory_space<hbm>> -> memref<1x10000xi32, #tpu.memory_space<hbm>>
      %dma_wait3A_165 = tpu.memref_squeeze %dma_wait3A_164 : memref<1x10000xi32, #tpu.memory_space<hbm>> -> memref<10000xi32, #tpu.memory_space<hbm>>
      tpu.wait_dma2 semaphore(%run_scoped3A_153 : memref<!tpu.dma_semaphore, #tpu.memory_space<semaphore_mem>>) src(%dma_wait3A_165 : memref<10000xi32, #tpu.memory_space<hbm>>) dst(%arg6 : memref<10000xi32, #tpu.memory_space<vmem>>)
      tpu.yield
    }) : () -> ()
    "tpu.region"() ({
      %run_scoped3A_153 = tpu.sem_alloc : memref<!tpu.dma_semaphore, #tpu.memory_space<semaphore_mem>>
      %dma_start3A_154 = arith.constant 0 : i32
      %dma_start3A_155 = arith.constant 0 : i32
      %dma_start3A_156 = tpu.memref_slice %arg4[%add3A, %dma_start3A_154, %dma_start3A_155] : memref<32x125x80xi32, #tpu.memory_space<hbm>> -> memref<1x125x80xi32, #tpu.memory_space<hbm>>
      %dma_start3A_157 = tpu.memref_squeeze %dma_start3A_156 : memref<1x125x80xi32, #tpu.memory_space<hbm>> -> memref<125x80xi32, #tpu.memory_space<hbm>>
      %dma_start3A_158 = arith.constant 0 : i32
      %dma_start3A_159 = arith.constant 0 : i32
      %dma_start3A_160 = tpu.memref_slice %arg4[%add3A, %dma_start3A_158, %dma_start3A_159] : memref<32x125x80xi32, #tpu.memory_space<hbm>> -> memref<1x125x80xi32, #tpu.memory_space<hbm>>
      %dma_start3A_161 = tpu.memref_squeeze %dma_start3A_160 : memref<1x125x80xi32, #tpu.memory_space<hbm>> -> memref<125x80xi32, #tpu.memory_space<hbm>>
      tpu.enqueue_dma source(%dma_start3A_161 : memref<125x80xi32, #tpu.memory_space<hbm>>) target(%arg7 : memref<125x80xi32, #tpu.memory_space<vmem>>) target_semaphore(%run_scoped3A_153 : memref<!tpu.dma_semaphore, #tpu.memory_space<semaphore_mem>>)
      %dma_wait3A_162 = arith.constant 0 : i32
      %dma_wait3A_163 = arith.constant 0 : i32
      %dma_wait3A_164 = tpu.memref_slice %arg4[%add3A, %dma_wait3A_162, %dma_wait3A_163] : memref<32x125x80xi32, #tpu.memory_space<hbm>> -> memref<1x125x80xi32, #tpu.memory_space<hbm>>
      %dma_wait3A_165 = tpu.memref_squeeze %dma_wait3A_164 : memref<1x125x80xi32, #tpu.memory_space<hbm>> -> memref<125x80xi32, #tpu.memory_space<hbm>>
      %dma_wait3A_166 = arith.constant 0 : i32
      %dma_wait3A_167 = arith.constant 0 : i32
      %dma_wait3A_168 = tpu.memref_slice %arg4[%add3A, %dma_wait3A_166, %dma_wait3A_167] : memref<32x125x80xi32, #tpu.memory_space<hbm>> -> memref<1x125x80xi32, #tpu.memory_space<hbm>>
      %dma_wait3A_169 = tpu.memref_squeeze %dma_wait3A_168 : memref<1x125x80xi32, #tpu.memory_space<hbm>> -> memref<125x80xi32, #tpu.memory_space<hbm>>
      tpu.wait_dma2 semaphore(%run_scoped3A_153 : memref<!tpu.dma_semaphore, #tpu.memory_space<semaphore_mem>>) src(%dma_wait3A_169 : memref<125x80xi32, #tpu.memory_space<hbm>>) dst(%arg7 : memref<125x80xi32, #tpu.memory_space<vmem>>)
      tpu.yield
    }) : () -> ()
    %dma_start3A_132 = arith.constant 0 : i32
    %dma_start3A_133 = tpu.memref_slice %arg6[%dma_start3A_132] : memref<10000xi32, #tpu.memory_space<vmem>> -> memref<80xi32, #tpu.memory_space<vmem>>
    %dma_start3A_134 = arith.constant 0 : i32
    %dma_start3A_135 = arith.constant 0 : i32
    %dma_start3A_136 = tpu.memref_slice %arg2[%dma_start3A_134, %dma_start3A_135] : memref<10000x128xf32, #tpu.memory_space<hbm>> -> memref<10000x128xf32, #tpu.memory_space<hbm>>
    tpu.enqueue_indirect_dma source(%dma_start3A_136 : memref<10000x128xf32, #tpu.memory_space<hbm>>) target(%arg8 : memref<80x128xf32, #tpu.memory_space<vmem>>) offsets(%dma_start3A_133 : memref<80xi32, #tpu.memory_space<vmem>>) semaphore(%arg10 : memref<!tpu.dma_semaphore, #tpu.memory_space<semaphore_mem>>)
    %scan3A_137 = arith.constant 0 : i32
    %scan3A_138 = arith.constant 0 : i32
    %scan3A_139 = arith.constant 62 : i32
    %scan3A_140 = arith.addi %scan3A_138, %scan3A_139 : i32
    %scan3A_141 = arith.constant 1 : i32
    scf.for %scan3A_153 = %scan3A_138 to %scan3A_140 step %scan3A_141  : i32 {
      %mul3A_154 = arith.constant 2 : i32
      %mul3A_155 = arith.muli %mul3A_154, %scan3A_153 : i32
      %mul3A_156 = arith.constant 80 : i32
      %mul3A_157 = arith.muli %mul3A_155, %mul3A_156 : i32
      %dma_wait3A_158 = tpu.memref_slice %arg6[%mul3A_157] : memref<10000xi32, #tpu.memory_space<vmem>> -> memref<80xi32, #tpu.memory_space<vmem>>
      %dma_wait3A_159 = arith.constant 0 : i32
      %dma_wait3A_160 = arith.constant 0 : i32
      %dma_wait3A_161 = tpu.memref_slice %arg2[%dma_wait3A_159, %dma_wait3A_160] : memref<10000x128xf32, #tpu.memory_space<hbm>> -> memref<10000x128xf32, #tpu.memory_space<hbm>>
      tpu.wait_indirect_dma semaphore(%arg10 : memref<!tpu.dma_semaphore, #tpu.memory_space<semaphore_mem>>) src(%dma_wait3A_161 : memref<10000x128xf32, #tpu.memory_space<hbm>>) dst(%arg8 : memref<80x128xf32, #tpu.memory_space<vmem>>)
      %add3A_162 = arith.constant 1 : i32
      %add3A_163 = arith.addi %mul3A_155, %add3A_162 : i32
      %mul3A_164 = arith.constant 80 : i32
      %mul3A_165 = arith.muli %add3A_163, %mul3A_164 : i32
      %dma_start3A_166 = tpu.memref_slice %arg6[%mul3A_165] : memref<10000xi32, #tpu.memory_space<vmem>> -> memref<80xi32, #tpu.memory_space<vmem>>
      %dma_start3A_167 = arith.constant 0 : i32
      %dma_start3A_168 = arith.constant 0 : i32
      %dma_start3A_169 = tpu.memref_slice %arg2[%dma_start3A_167, %dma_start3A_168] : memref<10000x128xf32, #tpu.memory_space<hbm>> -> memref<10000x128xf32, #tpu.memory_space<hbm>>
      tpu.enqueue_indirect_dma source(%dma_start3A_169 : memref<10000x128xf32, #tpu.memory_space<hbm>>) target(%arg9 : memref<80x128xf32, #tpu.memory_space<vmem>>) offsets(%dma_start3A_166 : memref<80xi32, #tpu.memory_space<vmem>>) semaphore(%arg11 : memref<!tpu.dma_semaphore, #tpu.memory_space<semaphore_mem>>)
      "tpu.region"() ({
        %run_scoped3A_188 = tpu.sem_alloc : memref<!tpu.dma_semaphore, #tpu.memory_space<semaphore_mem>>
        %dma_start3A_189 = arith.constant 0 : i32
        %dma_start3A_190 = tpu.memref_slice %arg7[%mul3A_155, %dma_start3A_189] : memref<125x80xi32, #tpu.memory_space<vmem>> -> memref<1x80xi32, #tpu.memory_space<vmem>>
        %dma_start3A_191 = tpu.memref_squeeze %dma_start3A_190 : memref<1x80xi32, #tpu.memory_space<vmem>> -> memref<80xi32, #tpu.memory_space<vmem>>
        %dma_start3A_192 = arith.constant 0 : i32
        %dma_start3A_193 = arith.constant 0 : i32
        %dma_start3A_194 = tpu.memref_slice %arg12[%dma_start3A_192, %dma_start3A_193] : memref<10240x128xf32, #tpu.memory_space<vmem_shared>> -> memref<10240x128xf32, #tpu.memory_space<vmem_shared>>
        tpu.enqueue_indirect_dma source(%arg8 : memref<80x128xf32, #tpu.memory_space<vmem>>) target(%dma_start3A_194 : memref<10240x128xf32, #tpu.memory_space<vmem_shared>>) offsets(%dma_start3A_191 : memref<80xi32, #tpu.memory_space<vmem>>) semaphore(%run_scoped3A_188 : memref<!tpu.dma_semaphore, #tpu.memory_space<semaphore_mem>>) {add = true}
        %dma_wait3A_195 = arith.constant 0 : i32
        %dma_wait3A_196 = tpu.memref_slice %arg7[%mul3A_155, %dma_wait3A_195] : memref<125x80xi32, #tpu.memory_space<vmem>> -> memref<1x80xi32, #tpu.memory_space<vmem>>
        %dma_wait3A_197 = tpu.memref_squeeze %dma_wait3A_196 : memref<1x80xi32, #tpu.memory_space<vmem>> -> memref<80xi32, #tpu.memory_space<vmem>>
        %dma_wait3A_198 = arith.constant 0 : i32
        %dma_wait3A_199 = arith.constant 0 : i32
        %dma_wait3A_200 = tpu.memref_slice %arg12[%dma_wait3A_198, %dma_wait3A_199] : memref<10240x128xf32, #tpu.memory_space<vmem_shared>> -> memref<10240x128xf32, #tpu.memory_space<vmem_shared>>
        tpu.wait_indirect_dma semaphore(%run_scoped3A_188 : memref<!tpu.dma_semaphore, #tpu.memory_space<semaphore_mem>>) src(%arg8 : memref<80x128xf32, #tpu.memory_space<vmem>>) dst(%dma_wait3A_200 : memref<10240x128xf32, #tpu.memory_space<vmem_shared>>)
        tpu.yield
      }) : () -> ()
      %add3A_170 = arith.constant 1 : i32
      %add3A_171 = arith.addi %mul3A_155, %add3A_170 : i32
      %mul3A_172 = arith.constant 80 : i32
      %mul3A_173 = arith.muli %add3A_171, %mul3A_172 : i32
      %dma_wait3A_174 = tpu.memref_slice %arg6[%mul3A_173] : memref<10000xi32, #tpu.memory_space<vmem>> -> memref<80xi32, #tpu.memory_space<vmem>>
      %dma_wait3A_175 = arith.constant 0 : i32
      %dma_wait3A_176 = arith.constant 0 : i32
      %dma_wait3A_177 = tpu.memref_slice %arg2[%dma_wait3A_175, %dma_wait3A_176] : memref<10000x128xf32, #tpu.memory_space<hbm>> -> memref<10000x128xf32, #tpu.memory_space<hbm>>
      tpu.wait_indirect_dma semaphore(%arg11 : memref<!tpu.dma_semaphore, #tpu.memory_space<semaphore_mem>>) src(%dma_wait3A_177 : memref<10000x128xf32, #tpu.memory_space<hbm>>) dst(%arg9 : memref<80x128xf32, #tpu.memory_space<vmem>>)
      %add3A_178 = arith.constant 2 : i32
      %add3A_179 = arith.addi %mul3A_155, %add3A_178 : i32
      %mul3A_180 = arith.constant 80 : i32
      %mul3A_181 = arith.muli %add3A_179, %mul3A_180 : i32
      %dma_start3A_182 = tpu.memref_slice %arg6[%mul3A_181] : memref<10000xi32, #tpu.memory_space<vmem>> -> memref<80xi32, #tpu.memory_space<vmem>>
      %dma_start3A_183 = arith.constant 0 : i32
      %dma_start3A_184 = arith.constant 0 : i32
      %dma_start3A_185 = tpu.memref_slice %arg2[%dma_start3A_183, %dma_start3A_184] : memref<10000x128xf32, #tpu.memory_space<hbm>> -> memref<10000x128xf32, #tpu.memory_space<hbm>>
      tpu.enqueue_indirect_dma source(%dma_start3A_185 : memref<10000x128xf32, #tpu.memory_space<hbm>>) target(%arg8 : memref<80x128xf32, #tpu.memory_space<vmem>>) offsets(%dma_start3A_182 : memref<80xi32, #tpu.memory_space<vmem>>) semaphore(%arg10 : memref<!tpu.dma_semaphore, #tpu.memory_space<semaphore_mem>>)
      %add3A_186 = arith.constant 1 : i32
      %add3A_187 = arith.addi %mul3A_155, %add3A_186 : i32
      "tpu.region"() ({
        %run_scoped3A_188 = tpu.sem_alloc : memref<!tpu.dma_semaphore, #tpu.memory_space<semaphore_mem>>
        %dma_start3A_189 = arith.constant 0 : i32
        %dma_start3A_190 = tpu.memref_slice %arg7[%add3A_187, %dma_start3A_189] : memref<125x80xi32, #tpu.memory_space<vmem>> -> memref<1x80xi32, #tpu.memory_space<vmem>>
        %dma_start3A_191 = tpu.memref_squeeze %dma_start3A_190 : memref<1x80xi32, #tpu.memory_space<vmem>> -> memref<80xi32, #tpu.memory_space<vmem>>
        %dma_start3A_192 = arith.constant 0 : i32
        %dma_start3A_193 = arith.constant 0 : i32
        %dma_start3A_194 = tpu.memref_slice %arg12[%dma_start3A_192, %dma_start3A_193] : memref<10240x128xf32, #tpu.memory_space<vmem_shared>> -> memref<10240x128xf32, #tpu.memory_space<vmem_shared>>
        tpu.enqueue_indirect_dma source(%arg9 : memref<80x128xf32, #tpu.memory_space<vmem>>) target(%dma_start3A_194 : memref<10240x128xf32, #tpu.memory_space<vmem_shared>>) offsets(%dma_start3A_191 : memref<80xi32, #tpu.memory_space<vmem>>) semaphore(%run_scoped3A_188 : memref<!tpu.dma_semaphore, #tpu.memory_space<semaphore_mem>>) {add = true}
        %dma_wait3A_195 = arith.constant 0 : i32
        %dma_wait3A_196 = tpu.memref_slice %arg7[%add3A_187, %dma_wait3A_195] : memref<125x80xi32, #tpu.memory_space<vmem>> -> memref<1x80xi32, #tpu.memory_space<vmem>>
        %dma_wait3A_197 = tpu.memref_squeeze %dma_wait3A_196 : memref<1x80xi32, #tpu.memory_space<vmem>> -> memref<80xi32, #tpu.memory_space<vmem>>
        %dma_wait3A_198 = arith.constant 0 : i32
        %dma_wait3A_199 = arith.constant 0 : i32
        %dma_wait3A_200 = tpu.memref_slice %arg12[%dma_wait3A_198, %dma_wait3A_199] : memref<10240x128xf32, #tpu.memory_space<vmem_shared>> -> memref<10240x128xf32, #tpu.memory_space<vmem_shared>>
        tpu.wait_indirect_dma semaphore(%run_scoped3A_188 : memref<!tpu.dma_semaphore, #tpu.memory_space<semaphore_mem>>) src(%arg9 : memref<80x128xf32, #tpu.memory_space<vmem>>) dst(%dma_wait3A_200 : memref<10240x128xf32, #tpu.memory_space<vmem_shared>>)
        tpu.yield
      }) : () -> ()
    }
    %scan3A_142 = arith.constant 62 : i32
    %dma_wait3A_143 = arith.constant 9920 : i32
    %dma_wait3A_144 = tpu.memref_slice %arg6[%dma_wait3A_143] : memref<10000xi32, #tpu.memory_space<vmem>> -> memref<80xi32, #tpu.memory_space<vmem>>
    %dma_wait3A_145 = arith.constant 0 : i32
    %dma_wait3A_146 = arith.constant 0 : i32
    %dma_wait3A_147 = tpu.memref_slice %arg2[%dma_wait3A_145, %dma_wait3A_146] : memref<10000x128xf32, #tpu.memory_space<hbm>> -> memref<10000x128xf32, #tpu.memory_space<hbm>>
    tpu.wait_indirect_dma semaphore(%arg10 : memref<!tpu.dma_semaphore, #tpu.memory_space<semaphore_mem>>) src(%dma_wait3A_147 : memref<10000x128xf32, #tpu.memory_space<hbm>>) dst(%arg8 : memref<80x128xf32, #tpu.memory_space<vmem>>)
    %run_scoped3A = arith.constant 124 : i32
    "tpu.region"() ({
      %run_scoped3A_153 = tpu.sem_alloc : memref<!tpu.dma_semaphore, #tpu.memory_space<semaphore_mem>>
      %dma_start3A_154 = arith.constant 0 : i32
      %dma_start3A_155 = tpu.memref_slice %arg7[%run_scoped3A, %dma_start3A_154] : memref<125x80xi32, #tpu.memory_space<vmem>> -> memref<1x80xi32, #tpu.memory_space<vmem>>
      %dma_start3A_156 = tpu.memref_squeeze %dma_start3A_155 : memref<1x80xi32, #tpu.memory_space<vmem>> -> memref<80xi32, #tpu.memory_space<vmem>>
      %dma_start3A_157 = arith.constant 0 : i32
      %dma_start3A_158 = arith.constant 0 : i32
      %dma_start3A_159 = tpu.memref_slice %arg12[%dma_start3A_157, %dma_start3A_158] : memref<10240x128xf32, #tpu.memory_space<vmem_shared>> -> memref<10240x128xf32, #tpu.memory_space<vmem_shared>>
      tpu.enqueue_indirect_dma source(%arg8 : memref<80x128xf32, #tpu.memory_space<vmem>>) target(%dma_start3A_159 : memref<10240x128xf32, #tpu.memory_space<vmem_shared>>) offsets(%dma_start3A_156 : memref<80xi32, #tpu.memory_space<vmem>>) semaphore(%run_scoped3A_153 : memref<!tpu.dma_semaphore, #tpu.memory_space<semaphore_mem>>) {add = true}
      %dma_wait3A_160 = arith.constant 0 : i32
      %dma_wait3A_161 = tpu.memref_slice %arg7[%run_scoped3A, %dma_wait3A_160] : memref<125x80xi32, #tpu.memory_space<vmem>> -> memref<1x80xi32, #tpu.memory_space<vmem>>
      %dma_wait3A_162 = tpu.memref_squeeze %dma_wait3A_161 : memref<1x80xi32, #tpu.memory_space<vmem>> -> memref<80xi32, #tpu.memory_space<vmem>>
      %dma_wait3A_163 = arith.constant 0 : i32
      %dma_wait3A_164 = arith.constant 0 : i32
      %dma_wait3A_165 = tpu.memref_slice %arg12[%dma_wait3A_163, %dma_wait3A_164] : memref<10240x128xf32, #tpu.memory_space<vmem_shared>> -> memref<10240x128xf32, #tpu.memory_space<vmem_shared>>
      tpu.wait_indirect_dma semaphore(%run_scoped3A_153 : memref<!tpu.dma_semaphore, #tpu.memory_space<semaphore_mem>>) src(%arg8 : memref<80x128xf32, #tpu.memory_space<vmem>>) dst(%dma_wait3A_165 : memref<10240x128xf32, #tpu.memory_space<vmem_shared>>)
      tpu.yield
    }) : () -> ()
    %barrier3A_148 = arith.constant 0 : index
    tpu.barrier barrier_id(%barrier3A_148)
    %mul3A_149 = arith.constant 640 : i32
    %mul3A_150 = arith.muli %arg1, %mul3A_149 : i32
    %mul3A_151 = arith.constant 640 : i32
    %mul3A_152 = arith.muli %arg1, %mul3A_151 : i32
    "tpu.region"() ({
      %run_scoped3A_153 = tpu.sem_alloc : memref<!tpu.dma_semaphore, #tpu.memory_space<semaphore_mem>>
      %dma_start3A_154 = arith.constant 0 : i32
      %dma_start3A_155 = tpu.memref_slice %arg5[%arg0, %mul3A_152, %dma_start3A_154] : memref<2x10240x128xf32, #tpu.memory_space<hbm>> -> memref<1x640x128xf32, #tpu.memory_space<hbm>>
      %dma_start3A_156 = tpu.memref_squeeze %dma_start3A_155 : memref<1x640x128xf32, #tpu.memory_space<hbm>> -> memref<640x128xf32, #tpu.memory_space<hbm>>
      %dma_start3A_157 = arith.constant 0 : i32
      %dma_start3A_158 = tpu.memref_slice %arg12[%mul3A_150, %dma_start3A_157] : memref<10240x128xf32, #tpu.memory_space<vmem_shared>> -> memref<640x128xf32, #tpu.memory_space<vmem_shared>>
      tpu.enqueue_dma source(%dma_start3A_158 : memref<640x128xf32, #tpu.memory_space<vmem_shared>>) target(%dma_start3A_156 : memref<640x128xf32, #tpu.memory_space<hbm>>) target_semaphore(%run_scoped3A_153 : memref<!tpu.dma_semaphore, #tpu.memory_space<semaphore_mem>>)
      %dma_wait3A_159 = arith.constant 0 : i32
      %dma_wait3A_160 = tpu.memref_slice %arg5[%arg0, %mul3A_152, %dma_wait3A_159] : memref<2x10240x128xf32, #tpu.memory_space<hbm>> -> memref<1x640x128xf32, #tpu.memory_space<hbm>>
      %dma_wait3A_161 = tpu.memref_squeeze %dma_wait3A_160 : memref<1x640x128xf32, #tpu.memory_space<hbm>> -> memref<640x128xf32, #tpu.memory_space<hbm>>
      %dma_wait3A_162 = arith.constant 0 : i32
      %dma_wait3A_163 = tpu.memref_slice %arg12[%mul3A_150, %dma_wait3A_162] : memref<10240x128xf32, #tpu.memory_space<vmem_shared>> -> memref<640x128xf32, #tpu.memory_space<vmem_shared>>
      tpu.wait_dma2 semaphore(%run_scoped3A_153 : memref<!tpu.dma_semaphore, #tpu.memory_space<semaphore_mem>>) src(%dma_wait3A_163 : memref<640x128xf32, #tpu.memory_space<vmem_shared>>) dst(%dma_wait3A_161 : memref<640x128xf32, #tpu.memory_space<hbm>>)
      tpu.yield
    }) : () -> ()
    return
  }
}

#map = affine_map<(d0, d1) -> (0, 0)>
#map1 = affine_map<(d0, d1) -> (0, 0, 0)>
module attributes {stable_mosaic.version = 14 : i64} {
  func.func @body(%arg0: i32, %arg1: i32, %arg2: memref<10000x128xf32, #tpu.memory_space<hbm>>, %arg3: memref<32x10000xi32, #tpu.memory_space<hbm>>, %arg4: memref<32x125x80xi32, #tpu.memory_space<hbm>>, %arg5: memref<2x10240x128xf32, #tpu.memory_space<hbm>>, %arg6: memref<10000xi32, #tpu.memory_space<vmem>>, %arg7: memref<125x80xi32, #tpu.memory_space<vmem>>, %arg8: memref<80x128xf32, #tpu.memory_space<vmem>>, %arg9: memref<80x128xf32, #tpu.memory_space<vmem>>, %arg10: memref<!tpu.dma_semaphore, #tpu.memory_space<semaphore_mem>>, %arg11: memref<!tpu.dma_semaphore, #tpu.memory_space<semaphore_mem>>, %arg12: memref<10240x128xf32, #tpu.memory_space<vmem_shared>>) attributes {dimension_semantics = [#tpu.dimension_semantics<core_parallel>, #tpu.dimension_semantics<subcore_parallel>], iteration_bounds = array<i64: 2, 16>, scalar_prefetch = 0 : i64, scratch_operands = 7 : i64, tpu.core_type = #tpu.core_type<sc_vector_subcore>, window_params = [{transform_indices = #map}, {transform_indices = #map}, {transform_indices = #map1}, {transform_indices = #map1}]} {
    %mul3A = arith.constant 16 : i32
    %mul3A_0 = arith.muli %arg0, %mul3A : i32
    %add3A = arith.addi %mul3A_0, %arg1 : i32
    %scan3A = arith.constant 0 : i32
    %scan3A_1 = arith.constant 0 : i32
    %scan3A_2 = arith.constant 80 : i32
    %scan3A_3 = arith.addi %scan3A_1, %scan3A_2 : i32
    %scan3A_4 = arith.constant 1 : i32
    scf.for %scan3A_153 = %scan3A_1 to %scan3A_3 step %scan3A_4  : i32 {
      %broadcast_in_dim3A = arith.constant 0.000000e+00 : f32
      %broadcast_in_dim3A_154 = vector.broadcast %broadcast_in_dim3A : f32 to vector<16xf32>
      %swap3A = arith.index_cast %scan3A_153 : i32 to index
      %swap3A_155 = arith.constant 0 : index
      %swap3A_156 = tpu.vector_load %arg8[%swap3A, %swap3A_155] {strides = array<i32>} : memref<80x128xf32, #tpu.memory_space<vmem>>, vector<1x16xf32>,
      %swap3A_157 = vector.shape_cast %swap3A_156 : vector<1x16xf32> to vector<16xf32>
      %swap3A_158 = vector.shape_cast %broadcast_in_dim3A_154 : vector<16xf32> to vector<1x16xf32>
      tpu.vector_store %arg8[%swap3A, %swap3A_155], %swap3A_158 {strides = array<i32>} : memref<80x128xf32, #tpu.memory_space<vmem>>, vector<1x16xf32>,
      %broadcast_in_dim3A_159 = arith.constant 0.000000e+00 : f32
      %broadcast_in_dim3A_160 = vector.broadcast %broadcast_in_dim3A_159 : f32 to vector<16xf32>
      %swap3A_161 = arith.index_cast %scan3A_153 : i32 to index
      %swap3A_162 = arith.constant 16 : index
      %swap3A_163 = tpu.vector_load %arg8[%swap3A_161, %swap3A_162] {strides = array<i32>} : memref<80x128xf32, #tpu.memory_space<vmem>>, vector<1x16xf32>,
      %swap3A_164 = vector.shape_cast %swap3A_163 : vector<1x16xf32> to vector<16xf32>
      %swap3A_165 = vector.shape_cast %broadcast_in_dim3A_160 : vector<16xf32> to vector<1x16xf32>
      tpu.vector_store %arg8[%swap3A_161, %swap3A_162], %swap3A_165 {strides = array<i32>} : memref<80x128xf32, #tpu.memory_space<vmem>>, vector<1x16xf32>,
      %broadcast_in_dim3A_166 = arith.constant 0.000000e+00 : f32
      %broadcast_in_dim3A_167 = vector.broadcast %broadcast_in_dim3A_166 : f32 to vector<16xf32>
      %swap3A_168 = arith.index_cast %scan3A_153 : i32 to index
      %swap3A_169 = arith.constant 32 : index
      %swap3A_170 = tpu.vector_load %arg8[%swap3A_168, %swap3A_169] {strides = array<i32>} : memref<80x128xf32, #tpu.memory_space<vmem>>, vector<1x16xf32>,
      %swap3A_171 = vector.shape_cast %swap3A_170 : vector<1x16xf32> to vector<16xf32>
      %swap3A_172 = vector.shape_cast %broadcast_in_dim3A_167 : vector<16xf32> to vector<1x16xf32>
      tpu.vector_store %arg8[%swap3A_168, %swap3A_169], %swap3A_172 {strides = array<i32>} : memref<80x128xf32, #tpu.memory_space<vmem>>, vector<1x16xf32>,
      %broadcast_in_dim3A_173 = arith.constant 0.000000e+00 : f32
      %broadcast_in_dim3A_174 = vector.broadcast %broadcast_in_dim3A_173 : f32 to vector<16xf32>
      %swap3A_175 = arith.index_cast %scan3A_153 : i32 to index
      %swap3A_176 = arith.constant 48 : index
      %swap3A_177 = tpu.vector_load %arg8[%swap3A_175, %swap3A_176] {strides = array<i32>} : memref<80x128xf32, #tpu.memory_space<vmem>>, vector<1x16xf32>,
      %swap3A_178 = vector.shape_cast %swap3A_177 : vector<1x16xf32> to vector<16xf32>
      %swap3A_179 = vector.shape_cast %broadcast_in_dim3A_174 : vector<16xf32> to vector<1x16xf32>
      tpu.vector_store %arg8[%swap3A_175, %swap3A_176], %swap3A_179 {strides = array<i32>} : memref<80x128xf32, #tpu.memory_space<vmem>>, vector<1x16xf32>,
      %broadcast_in_dim3A_180 = arith.constant 0.000000e+00 : f32
      %broadcast_in_dim3A_181 = vector.broadcast %broadcast_in_dim3A_180 : f32 to vector<16xf32>
      %swap3A_182 = arith.index_cast %scan3A_153 : i32 to index
      %swap3A_183 = arith.constant 64 : index
      %swap3A_184 = tpu.vector_load %arg8[%swap3A_182, %swap3A_183] {strides = array<i32>} : memref<80x128xf32, #tpu.memory_space<vmem>>, vector<1x16xf32>,
      %swap3A_185 = vector.shape_cast %swap3A_184 : vector<1x16xf32> to vector<16xf32>
      %swap3A_186 = vector.shape_cast %broadcast_in_dim3A_181 : vector<16xf32> to vector<1x16xf32>
      tpu.vector_store %arg8[%swap3A_182, %swap3A_183], %swap3A_186 {strides = array<i32>} : memref<80x128xf32, #tpu.memory_space<vmem>>, vector<1x16xf32>,
      %broadcast_in_dim3A_187 = arith.constant 0.000000e+00 : f32
      %broadcast_in_dim3A_188 = vector.broadcast %broadcast_in_dim3A_187 : f32 to vector<16xf32>
      %swap3A_189 = arith.index_cast %scan3A_153 : i32 to index
      %swap3A_190 = arith.constant 80 : index
      %swap3A_191 = tpu.vector_load %arg8[%swap3A_189, %swap3A_190] {strides = array<i32>} : memref<80x128xf32, #tpu.memory_space<vmem>>, vector<1x16xf32>,
      %swap3A_192 = vector.shape_cast %swap3A_191 : vector<1x16xf32> to vector<16xf32>
      %swap3A_193 = vector.shape_cast %broadcast_in_dim3A_188 : vector<16xf32> to vector<1x16xf32>
      tpu.vector_store %arg8[%swap3A_189, %swap3A_190], %swap3A_193 {strides = array<i32>} : memref<80x128xf32, #tpu.memory_space<vmem>>, vector<1x16xf32>,
      %broadcast_in_dim3A_194 = arith.constant 0.000000e+00 : f32
      %broadcast_in_dim3A_195 = vector.broadcast %broadcast_in_dim3A_194 : f32 to vector<16xf32>
      %swap3A_196 = arith.index_cast %scan3A_153 : i32 to index
      %swap3A_197 = arith.constant 96 : index
      %swap3A_198 = tpu.vector_load %arg8[%swap3A_196, %swap3A_197] {strides = array<i32>} : memref<80x128xf32, #tpu.memory_space<vmem>>, vector<1x16xf32>,
      %swap3A_199 = vector.shape_cast %swap3A_198 : vector<1x16xf32> to vector<16xf32>
      %swap3A_200 = vector.shape_cast %broadcast_in_dim3A_195 : vector<16xf32> to vector<1x16xf32>
      tpu.vector_store %arg8[%swap3A_196, %swap3A_197], %swap3A_200 {strides = array<i32>} : memref<80x128xf32, #tpu.memory_space<vmem>>, vector<1x16xf32>,
      %broadcast_in_dim3A_201 = arith.constant 0.000000e+00 : f32
      %broadcast_in_dim3A_202 = vector.broadcast %broadcast_in_dim3A_201 : f32 to vector<16xf32>
      %swap3A_203 = arith.index_cast %scan3A_153 : i32 to index
      %swap3A_204 = arith.constant 112 : index
      %swap3A_205 = tpu.vector_load %arg8[%swap3A_203, %swap3A_204] {strides = array<i32>} : memref<80x128xf32, #tpu.memory_space<vmem>>, vector<1x16xf32>,
      %swap3A_206 = vector.shape_cast %swap3A_205 : vector<1x16xf32> to vector<16xf32>
      %swap3A_207 = vector.shape_cast %broadcast_in_dim3A_202 : vector<16xf32> to vector<1x16xf32>
      tpu.vector_store %arg8[%swap3A_203, %swap3A_204], %swap3A_207 {strides = array<i32>} : memref<80x128xf32, #tpu.memory_space<vmem>>, vector<1x16xf32>,
    }
    %scan3A_5 = arith.constant 80 : i32
    %mul3A_6 = arith.constant 640 : i32
    %mul3A_7 = arith.muli %arg1, %mul3A_6 : i32
    %add3A_8 = arith.constant 0 : i32
    %add3A_9 = arith.addi %mul3A_7, %add3A_8 : i32
    %dma_start3A = arith.constant 0 : i32
    %dma_start3A_10 = tpu.memref_slice %arg12[%add3A_9, %dma_start3A] : memref<10240x128xf32, #tpu.memory_space<vmem_shared>> -> memref<80x128xf32, #tpu.memory_space<vmem_shared>>
    %dma_start3A_11 = arith.constant 0 : i32
    %dma_start3A_12 = tpu.memref_slice %arg12[%add3A_9, %dma_start3A_11] : memref<10240x128xf32, #tpu.memory_space<vmem_shared>> -> memref<80x128xf32, #tpu.memory_space<vmem_shared>>
    tpu.enqueue_dma source(%arg8 : memref<80x128xf32, #tpu.memory_space<vmem>>) target(%dma_start3A_12 : memref<80x128xf32, #tpu.memory_space<vmem_shared>>) target_semaphore(%arg10 : memref<!tpu.dma_semaphore, #tpu.memory_space<semaphore_mem>>)
    %mul3A_13 = arith.constant 640 : i32
    %mul3A_14 = arith.muli %arg1, %mul3A_13 : i32
    %add3A_15 = arith.constant 80 : i32
    %add3A_16 = arith.addi %mul3A_14, %add3A_15 : i32
    %dma_start3A_17 = arith.constant 0 : i32
    %dma_start3A_18 = tpu.memref_slice %arg12[%add3A_16, %dma_start3A_17] : memref<10240x128xf32, #tpu.memory_space<vmem_shared>> -> memref<80x128xf32, #tpu.memory_space<vmem_shared>>
    %dma_start3A_19 = arith.constant 0 : i32
    %dma_start3A_20 = tpu.memref_slice %arg12[%add3A_16, %dma_start3A_19] : memref<10240x128xf32, #tpu.memory_space<vmem_shared>> -> memref<80x128xf32, #tpu.memory_space<vmem_shared>>
    tpu.enqueue_dma source(%arg8 : memref<80x128xf32, #tpu.memory_space<vmem>>) target(%dma_start3A_20 : memref<80x128xf32, #tpu.memory_space<vmem_shared>>) target_semaphore(%arg10 : memref<!tpu.dma_semaphore, #tpu.memory_space<semaphore_mem>>)
    %mul3A_21 = arith.constant 640 : i32
    %mul3A_22 = arith.muli %arg1, %mul3A_21 : i32
    %add3A_23 = arith.constant 160 : i32
    %add3A_24 = arith.addi %mul3A_22, %add3A_23 : i32
    %dma_start3A_25 = arith.constant 0 : i32
    %dma_start3A_26 = tpu.memref_slice %arg12[%add3A_24, %dma_start3A_25] : memref<10240x128xf32, #tpu.memory_space<vmem_shared>> -> memref<80x128xf32, #tpu.memory_space<vmem_shared>>
    %dma_start3A_27 = arith.constant 0 : i32
    %dma_start3A_28 = tpu.memref_slice %arg12[%add3A_24, %dma_start3A_27] : memref<10240x128xf32, #tpu.memory_space<vmem_shared>> -> memref<80x128xf32, #tpu.memory_space<vmem_shared>>
    tpu.enqueue_dma source(%arg8 : memref<80x128xf32, #tpu.memory_space<vmem>>) target(%dma_start3A_28 : memref<80x128xf32, #tpu.memory_space<vmem_shared>>) target_semaphore(%arg10 : memref<!tpu.dma_semaphore, #tpu.memory_space<semaphore_mem>>)
    %mul3A_29 = arith.constant 640 : i32
    %mul3A_30 = arith.muli %arg1, %mul3A_29 : i32
    %add3A_31 = arith.constant 240 : i32
    %add3A_32 = arith.addi %mul3A_30, %add3A_31 : i32
    %dma_start3A_33 = arith.constant 0 : i32
    %dma_start3A_34 = tpu.memref_slice %arg12[%add3A_32, %dma_start3A_33] : memref<10240x128xf32, #tpu.memory_space<vmem_shared>> -> memref<80x128xf32, #tpu.memory_space<vmem_shared>>
    %dma_start3A_35 = arith.constant 0 : i32
    %dma_start3A_36 = tpu.memref_slice %arg12[%add3A_32, %dma_start3A_35] : memref<10240x128xf32, #tpu.memory_space<vmem_shared>> -> memref<80x128xf32, #tpu.memory_space<vmem_shared>>
    tpu.enqueue_dma source(%arg8 : memref<80x128xf32, #tpu.memory_space<vmem>>) target(%dma_start3A_36 : memref<80x128xf32, #tpu.memory_space<vmem_shared>>) target_semaphore(%arg10 : memref<!tpu.dma_semaphore, #tpu.memory_space<semaphore_mem>>)
    %mul3A_37 = arith.constant 640 : i32
    %mul3A_38 = arith.muli %arg1, %mul3A_37 : i32
    %add3A_39 = arith.constant 320 : i32
    %add3A_40 = arith.addi %mul3A_38, %add3A_39 : i32
    %dma_start3A_41 = arith.constant 0 : i32
    %dma_start3A_42 = tpu.memref_slice %arg12[%add3A_40, %dma_start3A_41] : memref<10240x128xf32, #tpu.memory_space<vmem_shared>> -> memref<80x128xf32, #tpu.memory_space<vmem_shared>>
    %dma_start3A_43 = arith.constant 0 : i32
    %dma_start3A_44 = tpu.memref_slice %arg12[%add3A_40, %dma_start3A_43] : memref<10240x128xf32, #tpu.memory_space<vmem_shared>> -> memref<80x128xf32, #tpu.memory_space<vmem_shared>>
    tpu.enqueue_dma source(%arg8 : memref<80x128xf32, #tpu.memory_space<vmem>>) target(%dma_start3A_44 : memref<80x128xf32, #tpu.memory_space<vmem_shared>>) target_semaphore(%arg10 : memref<!tpu.dma_semaphore, #tpu.memory_space<semaphore_mem>>)
    %mul3A_45 = arith.constant 640 : i32
    %mul3A_46 = arith.muli %arg1, %mul3A_45 : i32
    %add3A_47 = arith.constant 400 : i32
    %add3A_48 = arith.addi %mul3A_46, %add3A_47 : i32
    %dma_start3A_49 = arith.constant 0 : i32
    %dma_start3A_50 = tpu.memref_slice %arg12[%add3A_48, %dma_start3A_49] : memref<10240x128xf32, #tpu.memory_space<vmem_shared>> -> memref<80x128xf32, #tpu.memory_space<vmem_shared>>
    %dma_start3A_51 = arith.constant 0 : i32
    %dma_start3A_52 = tpu.memref_slice %arg12[%add3A_48, %dma_start3A_51] : memref<10240x128xf32, #tpu.memory_space<vmem_shared>> -> memref<80x128xf32, #tpu.memory_space<vmem_shared>>
    tpu.enqueue_dma source(%arg8 : memref<80x128xf32, #tpu.memory_space<vmem>>) target(%dma_start3A_52 : memref<80x128xf32, #tpu.memory_space<vmem_shared>>) target_semaphore(%arg10 : memref<!tpu.dma_semaphore, #tpu.memory_space<semaphore_mem>>)
    %mul3A_53 = arith.constant 640 : i32
    %mul3A_54 = arith.muli %arg1, %mul3A_53 : i32
    %add3A_55 = arith.constant 480 : i32
    %add3A_56 = arith.addi %mul3A_54, %add3A_55 : i32
    %dma_start3A_57 = arith.constant 0 : i32
    %dma_start3A_58 = tpu.memref_slice %arg12[%add3A_56, %dma_start3A_57] : memref<10240x128xf32, #tpu.memory_space<vmem_shared>> -> memref<80x128xf32, #tpu.memory_space<vmem_shared>>
    %dma_start3A_59 = arith.constant 0 : i32
    %dma_start3A_60 = tpu.memref_slice %arg12[%add3A_56, %dma_start3A_59] : memref<10240x128xf32, #tpu.memory_space<vmem_shared>> -> memref<80x128xf32, #tpu.memory_space<vmem_shared>>
    tpu.enqueue_dma source(%arg8 : memref<80x128xf32, #tpu.memory_space<vmem>>) target(%dma_start3A_60 : memref<80x128xf32, #tpu.memory_space<vmem_shared>>) target_semaphore(%arg10 : memref<!tpu.dma_semaphore, #tpu.memory_space<semaphore_mem>>)
    %mul3A_61 = arith.constant 640 : i32
    %mul3A_62 = arith.muli %arg1, %mul3A_61 : i32
    %add3A_63 = arith.constant 560 : i32
    %add3A_64 = arith.addi %mul3A_62, %add3A_63 : i32
    %dma_start3A_65 = arith.constant 0 : i32
    %dma_start3A_66 = tpu.memref_slice %arg12[%add3A_64, %dma_start3A_65] : memref<10240x128xf32, #tpu.memory_space<vmem_shared>> -> memref<80x128xf32, #tpu.memory_space<vmem_shared>>
    %dma_start3A_67 = arith.constant 0 : i32
    %dma_start3A_68 = tpu.memref_slice %arg12[%add3A_64, %dma_start3A_67] : memref<10240x128xf32, #tpu.memory_space<vmem_shared>> -> memref<80x128xf32, #tpu.memory_space<vmem_shared>>
    tpu.enqueue_dma source(%arg8 : memref<80x128xf32, #tpu.memory_space<vmem>>) target(%dma_start3A_68 : memref<80x128xf32, #tpu.memory_space<vmem_shared>>) target_semaphore(%arg10 : memref<!tpu.dma_semaphore, #tpu.memory_space<semaphore_mem>>)
    %mul3A_69 = arith.constant 640 : i32
    %mul3A_70 = arith.muli %arg1, %mul3A_69 : i32
    %add3A_71 = arith.constant 0 : i32
    %add3A_72 = arith.addi %mul3A_70, %add3A_71 : i32
    %dma_wait3A = arith.constant 0 : i32
    %dma_wait3A_73 = tpu.memref_slice %arg12[%add3A_72, %dma_wait3A] : memref<10240x128xf32, #tpu.memory_space<vmem_shared>> -> memref<80x128xf32, #tpu.memory_space<vmem_shared>>
    %dma_wait3A_74 = arith.constant 0 : i32
    %dma_wait3A_75 = tpu.memref_slice %arg12[%add3A_72, %dma_wait3A_74] : memref<10240x128xf32, #tpu.memory_space<vmem_shared>> -> memref<80x128xf32, #tpu.memory_space<vmem_shared>>
    tpu.wait_dma2 semaphore(%arg10 : memref<!tpu.dma_semaphore, #tpu.memory_space<semaphore_mem>>) src(%arg8 : memref<80x128xf32, #tpu.memory_space<vmem>>) dst(%dma_wait3A_75 : memref<80x128xf32, #tpu.memory_space<vmem_shared>>)
    %mul3A_76 = arith.constant 640 : i32
    %mul3A_77 = arith.muli %arg1, %mul3A_76 : i32
    %add3A_78 = arith.constant 80 : i32
    %add3A_79 = arith.addi %mul3A_77, %add3A_78 : i32
    %dma_wait3A_80 = arith.constant 0 : i32
    %dma_wait3A_81 = tpu.memref_slice %arg12[%add3A_79, %dma_wait3A_80] : memref<10240x128xf32, #tpu.memory_space<vmem_shared>> -> memref<80x128xf32, #tpu.memory_space<vmem_shared>>
    %dma_wait3A_82 = arith.constant 0 : i32
    %dma_wait3A_83 = tpu.memref_slice %arg12[%add3A_79, %dma_wait3A_82] : memref<10240x128xf32, #tpu.memory_space<vmem_shared>> -> memref<80x128xf32, #tpu.memory_space<vmem_shared>>
    tpu.wait_dma2 semaphore(%arg10 : memref<!tpu.dma_semaphore, #tpu.memory_space<semaphore_mem>>) src(%arg8 : memref<80x128xf32, #tpu.memory_space<vmem>>) dst(%dma_wait3A_83 : memref<80x128xf32, #tpu.memory_space<vmem_shared>>)
    %mul3A_84 = arith.constant 640 : i32
    %mul3A_85 = arith.muli %arg1, %mul3A_84 : i32
    %add3A_86 = arith.constant 160 : i32
    %add3A_87 = arith.addi %mul3A_85, %add3A_86 : i32
    %dma_wait3A_88 = arith.constant 0 : i32
    %dma_wait3A_89 = tpu.memref_slice %arg12[%add3A_87, %dma_wait3A_88] : memref<10240x128xf32, #tpu.memory_space<vmem_shared>> -> memref<80x128xf32, #tpu.memory_space<vmem_shared>>
    %dma_wait3A_90 = arith.constant 0 : i32
    %dma_wait3A_91 = tpu.memref_slice %arg12[%add3A_87, %dma_wait3A_90] : memref<10240x128xf32, #tpu.memory_space<vmem_shared>> -> memref<80x128xf32, #tpu.memory_space<vmem_shared>>
    tpu.wait_dma2 semaphore(%arg10 : memref<!tpu.dma_semaphore, #tpu.memory_space<semaphore_mem>>) src(%arg8 : memref<80x128xf32, #tpu.memory_space<vmem>>) dst(%dma_wait3A_91 : memref<80x128xf32, #tpu.memory_space<vmem_shared>>)
    %mul3A_92 = arith.constant 640 : i32
    %mul3A_93 = arith.muli %arg1, %mul3A_92 : i32
    %add3A_94 = arith.constant 240 : i32
    %add3A_95 = arith.addi %mul3A_93, %add3A_94 : i32
    %dma_wait3A_96 = arith.constant 0 : i32
    %dma_wait3A_97 = tpu.memref_slice %arg12[%add3A_95, %dma_wait3A_96] : memref<10240x128xf32, #tpu.memory_space<vmem_shared>> -> memref<80x128xf32, #tpu.memory_space<vmem_shared>>
    %dma_wait3A_98 = arith.constant 0 : i32
    %dma_wait3A_99 = tpu.memref_slice %arg12[%add3A_95, %dma_wait3A_98] : memref<10240x128xf32, #tpu.memory_space<vmem_shared>> -> memref<80x128xf32, #tpu.memory_space<vmem_shared>>
    tpu.wait_dma2 semaphore(%arg10 : memref<!tpu.dma_semaphore, #tpu.memory_space<semaphore_mem>>) src(%arg8 : memref<80x128xf32, #tpu.memory_space<vmem>>) dst(%dma_wait3A_99 : memref<80x128xf32, #tpu.memory_space<vmem_shared>>)
    %mul3A_100 = arith.constant 640 : i32
    %mul3A_101 = arith.muli %arg1, %mul3A_100 : i32
    %add3A_102 = arith.constant 320 : i32
    %add3A_103 = arith.addi %mul3A_101, %add3A_102 : i32
    %dma_wait3A_104 = arith.constant 0 : i32
    %dma_wait3A_105 = tpu.memref_slice %arg12[%add3A_103, %dma_wait3A_104] : memref<10240x128xf32, #tpu.memory_space<vmem_shared>> -> memref<80x128xf32, #tpu.memory_space<vmem_shared>>
    %dma_wait3A_106 = arith.constant 0 : i32
    %dma_wait3A_107 = tpu.memref_slice %arg12[%add3A_103, %dma_wait3A_106] : memref<10240x128xf32, #tpu.memory_space<vmem_shared>> -> memref<80x128xf32, #tpu.memory_space<vmem_shared>>
    tpu.wait_dma2 semaphore(%arg10 : memref<!tpu.dma_semaphore, #tpu.memory_space<semaphore_mem>>) src(%arg8 : memref<80x128xf32, #tpu.memory_space<vmem>>) dst(%dma_wait3A_107 : memref<80x128xf32, #tpu.memory_space<vmem_shared>>)
    %mul3A_108 = arith.constant 640 : i32
    %mul3A_109 = arith.muli %arg1, %mul3A_108 : i32
    %add3A_110 = arith.constant 400 : i32
    %add3A_111 = arith.addi %mul3A_109, %add3A_110 : i32
    %dma_wait3A_112 = arith.constant 0 : i32
    %dma_wait3A_113 = tpu.memref_slice %arg12[%add3A_111, %dma_wait3A_112] : memref<10240x128xf32, #tpu.memory_space<vmem_shared>> -> memref<80x128xf32, #tpu.memory_space<vmem_shared>>
    %dma_wait3A_114 = arith.constant 0 : i32
    %dma_wait3A_115 = tpu.memref_slice %arg12[%add3A_111, %dma_wait3A_114] : memref<10240x128xf32, #tpu.memory_space<vmem_shared>> -> memref<80x128xf32, #tpu.memory_space<vmem_shared>>
    tpu.wait_dma2 semaphore(%arg10 : memref<!tpu.dma_semaphore, #tpu.memory_space<semaphore_mem>>) src(%arg8 : memref<80x128xf32, #tpu.memory_space<vmem>>) dst(%dma_wait3A_115 : memref<80x128xf32, #tpu.memory_space<vmem_shared>>)
    %mul3A_116 = arith.constant 640 : i32
    %mul3A_117 = arith.muli %arg1, %mul3A_116 : i32
    %add3A_118 = arith.constant 480 : i32
    %add3A_119 = arith.addi %mul3A_117, %add3A_118 : i32
    %dma_wait3A_120 = arith.constant 0 : i32
    %dma_wait3A_121 = tpu.memref_slice %arg12[%add3A_119, %dma_wait3A_120] : memref<10240x128xf32, #tpu.memory_space<vmem_shared>> -> memref<80x128xf32, #tpu.memory_space<vmem_shared>>
    %dma_wait3A_122 = arith.constant 0 : i32
    %dma_wait3A_123 = tpu.memref_slice %arg12[%add3A_119, %dma_wait3A_122] : memref<10240x128xf32, #tpu.memory_space<vmem_shared>> -> memref<80x128xf32, #tpu.memory_space<vmem_shared>>
    tpu.wait_dma2 semaphore(%arg10 : memref<!tpu.dma_semaphore, #tpu.memory_space<semaphore_mem>>) src(%arg8 : memref<80x128xf32, #tpu.memory_space<vmem>>) dst(%dma_wait3A_123 : memref<80x128xf32, #tpu.memory_space<vmem_shared>>)
    %mul3A_124 = arith.constant 640 : i32
    %mul3A_125 = arith.muli %arg1, %mul3A_124 : i32
    %add3A_126 = arith.constant 560 : i32
    %add3A_127 = arith.addi %mul3A_125, %add3A_126 : i32
    %dma_wait3A_128 = arith.constant 0 : i32
    %dma_wait3A_129 = tpu.memref_slice %arg12[%add3A_127, %dma_wait3A_128] : memref<10240x128xf32, #tpu.memory_space<vmem_shared>> -> memref<80x128xf32, #tpu.memory_space<vmem_shared>>
    %dma_wait3A_130 = arith.constant 0 : i32
    %dma_wait3A_131 = tpu.memref_slice %arg12[%add3A_127, %dma_wait3A_130] : memref<10240x128xf32, #tpu.memory_space<vmem_shared>> -> memref<80x128xf32, #tpu.memory_space<vmem_shared>>
    tpu.wait_dma2 semaphore(%arg10 : memref<!tpu.dma_semaphore, #tpu.memory_space<semaphore_mem>>) src(%arg8 : memref<80x128xf32, #tpu.memory_space<vmem>>) dst(%dma_wait3A_131 : memref<80x128xf32, #tpu.memory_space<vmem_shared>>)
    %barrier3A = arith.constant 0 : index
    tpu.barrier barrier_id(%barrier3A)
    "tpu.region"() ({
      %run_scoped3A_153 = tpu.sem_alloc : memref<!tpu.dma_semaphore, #tpu.memory_space<semaphore_mem>>
      %dma_start3A_154 = arith.constant 0 : i32
      %dma_start3A_155 = tpu.memref_slice %arg3[%add3A, %dma_start3A_154] : memref<32x10000xi32, #tpu.memory_space<hbm>> -> memref<1x10000xi32, #tpu.memory_space<hbm>>
      %dma_start3A_156 = tpu.memref_squeeze %dma_start3A_155 : memref<1x10000xi32, #tpu.memory_space<hbm>> -> memref<10000xi32, #tpu.memory_space<hbm>>
      %dma_start3A_157 = arith.constant 0 : i32
      %dma_start3A_158 = tpu.memref_slice %arg3[%add3A, %dma_start3A_157] : memref<32x10000xi32, #tpu.memory_space<hbm>> -> memref<1x10000xi32, #tpu.memory_space<hbm>>
      %dma_start3A_159 = tpu.memref_squeeze %dma_start3A_158 : memref<1x10000xi32, #tpu.memory_space<hbm>> -> memref<10000xi32, #tpu.memory_space<hbm>>
      tpu.enqueue_dma source(%dma_start3A_159 : memref<10000xi32, #tpu.memory_space<hbm>>) target(%arg6 : memref<10000xi32, #tpu.memory_space<vmem>>) target_semaphore(%run_scoped3A_153 : memref<!tpu.dma_semaphore, #tpu.memory_space<semaphore_mem>>)
      %dma_wait3A_160 = arith.constant 0 : i32
      %dma_wait3A_161 = tpu.memref_slice %arg3[%add3A, %dma_wait3A_160] : memref<32x10000xi32, #tpu.memory_space<hbm>> -> memref<1x10000xi32, #tpu.memory_space<hbm>>
      %dma_wait3A_162 = tpu.memref_squeeze %dma_wait3A_161 : memref<1x10000xi32, #tpu.memory_space<hbm>> -> memref<10000xi32, #tpu.memory_space<hbm>>
      %dma_wait3A_163 = arith.constant 0 : i32
      %dma_wait3A_164 = tpu.memref_slice %arg3[%add3A, %dma_wait3A_163] : memref<32x10000xi32, #tpu.memory_space<hbm>> -> memref<1x10000xi32, #tpu.memory_space<hbm>>
      %dma_wait3A_165 = tpu.memref_squeeze %dma_wait3A_164 : memref<1x10000xi32, #tpu.memory_space<hbm>> -> memref<10000xi32, #tpu.memory_space<hbm>>
      tpu.wait_dma2 semaphore(%run_scoped3A_153 : memref<!tpu.dma_semaphore, #tpu.memory_space<semaphore_mem>>) src(%dma_wait3A_165 : memref<10000xi32, #tpu.memory_space<hbm>>) dst(%arg6 : memref<10000xi32, #tpu.memory_space<vmem>>)
      tpu.yield
    }) : () -> ()
    "tpu.region"() ({
      %run_scoped3A_153 = tpu.sem_alloc : memref<!tpu.dma_semaphore, #tpu.memory_space<semaphore_mem>>
      %dma_start3A_154 = arith.constant 0 : i32
      %dma_start3A_155 = arith.constant 0 : i32
      %dma_start3A_156 = tpu.memref_slice %arg4[%add3A, %dma_start3A_154, %dma_start3A_155] : memref<32x125x80xi32, #tpu.memory_space<hbm>> -> memref<1x125x80xi32, #tpu.memory_space<hbm>>
      %dma_start3A_157 = tpu.memref_squeeze %dma_start3A_156 : memref<1x125x80xi32, #tpu.memory_space<hbm>> -> memref<125x80xi32, #tpu.memory_space<hbm>>
      %dma_start3A_158 = arith.constant 0 : i32
      %dma_start3A_159 = arith.constant 0 : i32
      %dma_start3A_160 = tpu.memref_slice %arg4[%add3A, %dma_start3A_158, %dma_start3A_159] : memref<32x125x80xi32, #tpu.memory_space<hbm>> -> memref<1x125x80xi32, #tpu.memory_space<hbm>>
      %dma_start3A_161 = tpu.memref_squeeze %dma_start3A_160 : memref<1x125x80xi32, #tpu.memory_space<hbm>> -> memref<125x80xi32, #tpu.memory_space<hbm>>
      tpu.enqueue_dma source(%dma_start3A_161 : memref<125x80xi32, #tpu.memory_space<hbm>>) target(%arg7 : memref<125x80xi32, #tpu.memory_space<vmem>>) target_semaphore(%run_scoped3A_153 : memref<!tpu.dma_semaphore, #tpu.memory_space<semaphore_mem>>)
      %dma_wait3A_162 = arith.constant 0 : i32
      %dma_wait3A_163 = arith.constant 0 : i32
      %dma_wait3A_164 = tpu.memref_slice %arg4[%add3A, %dma_wait3A_162, %dma_wait3A_163] : memref<32x125x80xi32, #tpu.memory_space<hbm>> -> memref<1x125x80xi32, #tpu.memory_space<hbm>>
      %dma_wait3A_165 = tpu.memref_squeeze %dma_wait3A_164 : memref<1x125x80xi32, #tpu.memory_space<hbm>> -> memref<125x80xi32, #tpu.memory_space<hbm>>
      %dma_wait3A_166 = arith.constant 0 : i32
      %dma_wait3A_167 = arith.constant 0 : i32
      %dma_wait3A_168 = tpu.memref_slice %arg4[%add3A, %dma_wait3A_166, %dma_wait3A_167] : memref<32x125x80xi32, #tpu.memory_space<hbm>> -> memref<1x125x80xi32, #tpu.memory_space<hbm>>
      %dma_wait3A_169 = tpu.memref_squeeze %dma_wait3A_168 : memref<1x125x80xi32, #tpu.memory_space<hbm>> -> memref<125x80xi32, #tpu.memory_space<hbm>>
      tpu.wait_dma2 semaphore(%run_scoped3A_153 : memref<!tpu.dma_semaphore, #tpu.memory_space<semaphore_mem>>) src(%dma_wait3A_169 : memref<125x80xi32, #tpu.memory_space<hbm>>) dst(%arg7 : memref<125x80xi32, #tpu.memory_space<vmem>>)
      tpu.yield
    }) : () -> ()
    %dma_start3A_132 = arith.constant 0 : i32
    %dma_start3A_133 = tpu.memref_slice %arg6[%dma_start3A_132] : memref<10000xi32, #tpu.memory_space<vmem>> -> memref<80xi32, #tpu.memory_space<vmem>>
    %dma_start3A_134 = arith.constant 0 : i32
    %dma_start3A_135 = arith.constant 0 : i32
    %dma_start3A_136 = tpu.memref_slice %arg2[%dma_start3A_134, %dma_start3A_135] : memref<10000x128xf32, #tpu.memory_space<hbm>> -> memref<10000x128xf32, #tpu.memory_space<hbm>>
    tpu.enqueue_indirect_dma source(%dma_start3A_136 : memref<10000x128xf32, #tpu.memory_space<hbm>>) target(%arg8 : memref<80x128xf32, #tpu.memory_space<vmem>>) offsets(%dma_start3A_133 : memref<80xi32, #tpu.memory_space<vmem>>) semaphore(%arg10 : memref<!tpu.dma_semaphore, #tpu.memory_space<semaphore_mem>>)
    %scan3A_137 = arith.constant 0 : i32
    %scan3A_138 = arith.constant 0 : i32
    %scan3A_139 = arith.constant 62 : i32
    %scan3A_140 = arith.addi %scan3A_138, %scan3A_139 : i32
    %scan3A_141 = arith.constant 1 : i32
    scf.for %scan3A_153 = %scan3A_138 to %scan3A_140 step %scan3A_141  : i32 {
      %mul3A_154 = arith.constant 2 : i32
      %mul3A_155 = arith.muli %mul3A_154, %scan3A_153 : i32
      %mul3A_156 = arith.constant 80 : i32
      %mul3A_157 = arith.muli %mul3A_155, %mul3A_156 : i32
      %dma_wait3A_158 = tpu.memref_slice %arg6[%mul3A_157] : memref<10000xi32, #tpu.memory_space<vmem>> -> memref<80xi32, #tpu.memory_space<vmem>>
      %dma_wait3A_159 = arith.constant 0 : i32
      %dma_wait3A_160 = arith.constant 0 : i32
      %dma_wait3A_161 = tpu.memref_slice %arg2[%dma_wait3A_159, %dma_wait3A_160] : memref<10000x128xf32, #tpu.memory_space<hbm>> -> memref<10000x128xf32, #tpu.memory_space<hbm>>
      tpu.wait_indirect_dma semaphore(%arg10 : memref<!tpu.dma_semaphore, #tpu.memory_space<semaphore_mem>>) src(%dma_wait3A_161 : memref<10000x128xf32, #tpu.memory_space<hbm>>) dst(%arg8 : memref<80x128xf32, #tpu.memory_space<vmem>>)
      %add3A_162 = arith.constant 1 : i32
      %add3A_163 = arith.addi %mul3A_155, %add3A_162 : i32
      %mul3A_164 = arith.constant 80 : i32
      %mul3A_165 = arith.muli %add3A_163, %mul3A_164 : i32
      %dma_start3A_166 = tpu.memref_slice %arg6[%mul3A_165] : memref<10000xi32, #tpu.memory_space<vmem>> -> memref<80xi32, #tpu.memory_space<vmem>>
      %dma_start3A_167 = arith.constant 0 : i32
      %dma_start3A_168 = arith.constant 0 : i32
      %dma_start3A_169 = tpu.memref_slice %arg2[%dma_start3A_167, %dma_start3A_168] : memref<10000x128xf32, #tpu.memory_space<hbm>> -> memref<10000x128xf32, #tpu.memory_space<hbm>>
      tpu.enqueue_indirect_dma source(%dma_start3A_169 : memref<10000x128xf32, #tpu.memory_space<hbm>>) target(%arg9 : memref<80x128xf32, #tpu.memory_space<vmem>>) offsets(%dma_start3A_166 : memref<80xi32, #tpu.memory_space<vmem>>) semaphore(%arg11 : memref<!tpu.dma_semaphore, #tpu.memory_space<semaphore_mem>>)
      "tpu.region"() ({
        %run_scoped3A_188 = tpu.sem_alloc : memref<!tpu.dma_semaphore, #tpu.memory_space<semaphore_mem>>
        %dma_start3A_189 = arith.constant 0 : i32
        %dma_start3A_190 = tpu.memref_slice %arg7[%mul3A_155, %dma_start3A_189] : memref<125x80xi32, #tpu.memory_space<vmem>> -> memref<1x80xi32, #tpu.memory_space<vmem>>
        %dma_start3A_191 = tpu.memref_squeeze %dma_start3A_190 : memref<1x80xi32, #tpu.memory_space<vmem>> -> memref<80xi32, #tpu.memory_space<vmem>>
        %dma_start3A_192 = arith.constant 0 : i32
        %dma_start3A_193 = arith.constant 0 : i32
        %dma_start3A_194 = tpu.memref_slice %arg12[%dma_start3A_192, %dma_start3A_193] : memref<10240x128xf32, #tpu.memory_space<vmem_shared>> -> memref<10240x128xf32, #tpu.memory_space<vmem_shared>>
        tpu.enqueue_indirect_dma source(%arg8 : memref<80x128xf32, #tpu.memory_space<vmem>>) target(%dma_start3A_194 : memref<10240x128xf32, #tpu.memory_space<vmem_shared>>) offsets(%dma_start3A_191 : memref<80xi32, #tpu.memory_space<vmem>>) semaphore(%run_scoped3A_188 : memref<!tpu.dma_semaphore, #tpu.memory_space<semaphore_mem>>) {add = true}
        %dma_wait3A_195 = arith.constant 0 : i32
        %dma_wait3A_196 = tpu.memref_slice %arg7[%mul3A_155, %dma_wait3A_195] : memref<125x80xi32, #tpu.memory_space<vmem>> -> memref<1x80xi32, #tpu.memory_space<vmem>>
        %dma_wait3A_197 = tpu.memref_squeeze %dma_wait3A_196 : memref<1x80xi32, #tpu.memory_space<vmem>> -> memref<80xi32, #tpu.memory_space<vmem>>
        %dma_wait3A_198 = arith.constant 0 : i32
        %dma_wait3A_199 = arith.constant 0 : i32
        %dma_wait3A_200 = tpu.memref_slice %arg12[%dma_wait3A_198, %dma_wait3A_199] : memref<10240x128xf32, #tpu.memory_space<vmem_shared>> -> memref<10240x128xf32, #tpu.memory_space<vmem_shared>>
        tpu.wait_indirect_dma semaphore(%run_scoped3A_188 : memref<!tpu.dma_semaphore, #tpu.memory_space<semaphore_mem>>) src(%arg8 : memref<80x128xf32, #tpu.memory_space<vmem>>) dst(%dma_wait3A_200 : memref<10240x128xf32, #tpu.memory_space<vmem_shared>>)
        tpu.yield
      }) : () -> ()
      %add3A_170 = arith.constant 1 : i32
      %add3A_171 = arith.addi %mul3A_155, %add3A_170 : i32
      %mul3A_172 = arith.constant 80 : i32
      %mul3A_173 = arith.muli %add3A_171, %mul3A_172 : i32
      %dma_wait3A_174 = tpu.memref_slice %arg6[%mul3A_173] : memref<10000xi32, #tpu.memory_space<vmem>> -> memref<80xi32, #tpu.memory_space<vmem>>
      %dma_wait3A_175 = arith.constant 0 : i32
      %dma_wait3A_176 = arith.constant 0 : i32
      %dma_wait3A_177 = tpu.memref_slice %arg2[%dma_wait3A_175, %dma_wait3A_176] : memref<10000x128xf32, #tpu.memory_space<hbm>> -> memref<10000x128xf32, #tpu.memory_space<hbm>>
      tpu.wait_indirect_dma semaphore(%arg11 : memref<!tpu.dma_semaphore, #tpu.memory_space<semaphore_mem>>) src(%dma_wait3A_177 : memref<10000x128xf32, #tpu.memory_space<hbm>>) dst(%arg9 : memref<80x128xf32, #tpu.memory_space<vmem>>)
      %add3A_178 = arith.constant 2 : i32
      %add3A_179 = arith.addi %mul3A_155, %add3A_178 : i32
      %mul3A_180 = arith.constant 80 : i32
      %mul3A_181 = arith.muli %add3A_179, %mul3A_180 : i32
      %dma_start3A_182 = tpu.memref_slice %arg6[%mul3A_181] : memref<10000xi32, #tpu.memory_space<vmem>> -> memref<80xi32, #tpu.memory_space<vmem>>
      %dma_start3A_183 = arith.constant 0 : i32
      %dma_start3A_184 = arith.constant 0 : i32
      %dma_start3A_185 = tpu.memref_slice %arg2[%dma_start3A_183, %dma_start3A_184] : memref<10000x128xf32, #tpu.memory_space<hbm>> -> memref<10000x128xf32, #tpu.memory_space<hbm>>
      tpu.enqueue_indirect_dma source(%dma_start3A_185 : memref<10000x128xf32, #tpu.memory_space<hbm>>) target(%arg8 : memref<80x128xf32, #tpu.memory_space<vmem>>) offsets(%dma_start3A_182 : memref<80xi32, #tpu.memory_space<vmem>>) semaphore(%arg10 : memref<!tpu.dma_semaphore, #tpu.memory_space<semaphore_mem>>)
      %add3A_186 = arith.constant 1 : i32
      %add3A_187 = arith.addi %mul3A_155, %add3A_186 : i32
      "tpu.region"() ({
        %run_scoped3A_188 = tpu.sem_alloc : memref<!tpu.dma_semaphore, #tpu.memory_space<semaphore_mem>>
        %dma_start3A_189 = arith.constant 0 : i32
        %dma_start3A_190 = tpu.memref_slice %arg7[%add3A_187, %dma_start3A_189] : memref<125x80xi32, #tpu.memory_space<vmem>> -> memref<1x80xi32, #tpu.memory_space<vmem>>
        %dma_start3A_191 = tpu.memref_squeeze %dma_start3A_190 : memref<1x80xi32, #tpu.memory_space<vmem>> -> memref<80xi32, #tpu.memory_space<vmem>>
        %dma_start3A_192 = arith.constant 0 : i32
        %dma_start3A_193 = arith.constant 0 : i32
        %dma_start3A_194 = tpu.memref_slice %arg12[%dma_start3A_192, %dma_start3A_193] : memref<10240x128xf32, #tpu.memory_space<vmem_shared>> -> memref<10240x128xf32, #tpu.memory_space<vmem_shared>>
        tpu.enqueue_indirect_dma source(%arg9 : memref<80x128xf32, #tpu.memory_space<vmem>>) target(%dma_start3A_194 : memref<10240x128xf32, #tpu.memory_space<vmem_shared>>) offsets(%dma_start3A_191 : memref<80xi32, #tpu.memory_space<vmem>>) semaphore(%run_scoped3A_188 : memref<!tpu.dma_semaphore, #tpu.memory_space<semaphore_mem>>) {add = true}
        %dma_wait3A_195 = arith.constant 0 : i32
        %dma_wait3A_196 = tpu.memref_slice %arg7[%add3A_187, %dma_wait3A_195] : memref<125x80xi32, #tpu.memory_space<vmem>> -> memref<1x80xi32, #tpu.memory_space<vmem>>
        %dma_wait3A_197 = tpu.memref_squeeze %dma_wait3A_196 : memref<1x80xi32, #tpu.memory_space<vmem>> -> memref<80xi32, #tpu.memory_space<vmem>>
        %dma_wait3A_198 = arith.constant 0 : i32
        %dma_wait3A_199 = arith.constant 0 : i32
        %dma_wait3A_200 = tpu.memref_slice %arg12[%dma_wait3A_198, %dma_wait3A_199] : memref<10240x128xf32, #tpu.memory_space<vmem_shared>> -> memref<10240x128xf32, #tpu.memory_space<vmem_shared>>
        tpu.wait_indirect_dma semaphore(%run_scoped3A_188 : memref<!tpu.dma_semaphore, #tpu.memory_space<semaphore_mem>>) src(%arg9 : memref<80x128xf32, #tpu.memory_space<vmem>>) dst(%dma_wait3A_200 : memref<10240x128xf32, #tpu.memory_space<vmem_shared>>)
        tpu.yield
      }) : () -> ()
    }
    %scan3A_142 = arith.constant 62 : i32
    %dma_wait3A_143 = arith.constant 9920 : i32
    %dma_wait3A_144 = tpu.memref_slice %arg6[%dma_wait3A_143] : memref<10000xi32, #tpu.memory_space<vmem>> -> memref<80xi32, #tpu.memory_space<vmem>>
    %dma_wait3A_145 = arith.constant 0 : i32
    %dma_wait3A_146 = arith.constant 0 : i32
    %dma_wait3A_147 = tpu.memref_slice %arg2[%dma_wait3A_145, %dma_wait3A_146] : memref<10000x128xf32, #tpu.memory_space<hbm>> -> memref<10000x128xf32, #tpu.memory_space<hbm>>
    tpu.wait_indirect_dma semaphore(%arg10 : memref<!tpu.dma_semaphore, #tpu.memory_space<semaphore_mem>>) src(%dma_wait3A_147 : memref<10000x128xf32, #tpu.memory_space<hbm>>) dst(%arg8 : memref<80x128xf32, #tpu.memory_space<vmem>>)
    %run_scoped3A = arith.constant 124 : i32
    "tpu.region"() ({
      %run_scoped3A_153 = tpu.sem_alloc : memref<!tpu.dma_semaphore, #tpu.memory_space<semaphore_mem>>
      %dma_start3A_154 = arith.constant 0 : i32
      %dma_start3A_155 = tpu.memref_slice %arg7[%run_scoped3A, %dma_start3A_154] : memref<125x80xi32, #tpu.memory_space<vmem>> -> memref<1x80xi32, #tpu.memory_space<vmem>>
      %dma_start3A_156 = tpu.memref_squeeze %dma_start3A_155 : memref<1x80xi32, #tpu.memory_space<vmem>> -> memref<80xi32, #tpu.memory_space<vmem>>
      %dma_start3A_157 = arith.constant 0 : i32
      %dma_start3A_158 = arith.constant 0 : i32
      %dma_start3A_159 = tpu.memref_slice %arg12[%dma_start3A_157, %dma_start3A_158] : memref<10240x128xf32, #tpu.memory_space<vmem_shared>> -> memref<10240x128xf32, #tpu.memory_space<vmem_shared>>
      tpu.enqueue_indirect_dma source(%arg8 : memref<80x128xf32, #tpu.memory_space<vmem>>) target(%dma_start3A_159 : memref<10240x128xf32, #tpu.memory_space<vmem_shared>>) offsets(%dma_start3A_156 : memref<80xi32, #tpu.memory_space<vmem>>) semaphore(%run_scoped3A_153 : memref<!tpu.dma_semaphore, #tpu.memory_space<semaphore_mem>>) {add = true}
      %dma_wait3A_160 = arith.constant 0 : i32
      %dma_wait3A_161 = tpu.memref_slice %arg7[%run_scoped3A, %dma_wait3A_160] : memref<125x80xi32, #tpu.memory_space<vmem>> -> memref<1x80xi32, #tpu.memory_space<vmem>>
      %dma_wait3A_162 = tpu.memref_squeeze %dma_wait3A_161 : memref<1x80xi32, #tpu.memory_space<vmem>> -> memref<80xi32, #tpu.memory_space<vmem>>
      %dma_wait3A_163 = arith.constant 0 : i32
      %dma_wait3A_164 = arith.constant 0 : i32
      %dma_wait3A_165 = tpu.memref_slice %arg12[%dma_wait3A_163, %dma_wait3A_164] : memref<10240x128xf32, #tpu.memory_space<vmem_shared>> -> memref<10240x128xf32, #tpu.memory_space<vmem_shared>>
      tpu.wait_indirect_dma semaphore(%run_scoped3A_153 : memref<!tpu.dma_semaphore, #tpu.memory_space<semaphore_mem>>) src(%arg8 : memref<80x128xf32, #tpu.memory_space<vmem>>) dst(%dma_wait3A_165 : memref<10240x128xf32, #tpu.memory_space<vmem_shared>>)
      tpu.yield
    }) : () -> ()
    %barrier3A_148 = arith.constant 0 : index
    tpu.barrier barrier_id(%barrier3A_148)
    %mul3A_149 = arith.constant 640 : i32
    %mul3A_150 = arith.muli %arg1, %mul3A_149 : i32
    %mul3A_151 = arith.constant 640 : i32
    %mul3A_152 = arith.muli %arg1, %mul3A_151 : i32
    "tpu.region"() ({
      %run_scoped3A_153 = tpu.sem_alloc : memref<!tpu.dma_semaphore, #tpu.memory_space<semaphore_mem>>
      %dma_start3A_154 = arith.constant 0 : i32
      %dma_start3A_155 = tpu.memref_slice %arg5[%arg0, %mul3A_152, %dma_start3A_154] : memref<2x10240x128xf32, #tpu.memory_space<hbm>> -> memref<1x640x128xf32, #tpu.memory_space<hbm>>
      %dma_start3A_156 = tpu.memref_squeeze %dma_start3A_155 : memref<1x640x128xf32, #tpu.memory_space<hbm>> -> memref<640x128xf32, #tpu.memory_space<hbm>>
      %dma_start3A_157 = arith.constant 0 : i32
      %dma_start3A_158 = tpu.memref_slice %arg12[%mul3A_150, %dma_start3A_157] : memref<10240x128xf32, #tpu.memory_space<vmem_shared>> -> memref<640x128xf32, #tpu.memory_space<vmem_shared>>
      tpu.enqueue_dma source(%dma_start3A_158 : memref<640x128xf32, #tpu.memory_space<vmem_shared>>) target(%dma_start3A_156 : memref<640x128xf32, #tpu.memory_space<hbm>>) target_semaphore(%run_scoped3A_153 : memref<!tpu.dma_semaphore, #tpu.memory_space<semaphore_mem>>)
      %dma_wait3A_159 = arith.constant 0 : i32
      %dma_wait3A_160 = tpu.memref_slice %arg5[%arg0, %mul3A_152, %dma_wait3A_159] : memref<2x10240x128xf32, #tpu.memory_space<hbm>> -> memref<1x640x128xf32, #tpu.memory_space<hbm>>
      %dma_wait3A_161 = tpu.memref_squeeze %dma_wait3A_160 : memref<1x640x128xf32, #tpu.memory_space<hbm>> -> memref<640x128xf32, #tpu.memory_space<hbm>>
      %dma_wait3A_162 = arith.constant 0 : i32
      %dma_wait3A_163 = tpu.memref_slice %arg12[%mul3A_150, %dma_wait3A_162] : memref<10240x128xf32, #tpu.memory_space<vmem_shared>> -> memref<640x128xf32, #tpu.memory_space<vmem_shared>>
      tpu.wait_dma2 semaphore(%run_scoped3A_153 : memref<!tpu.dma_semaphore, #tpu.memory_space<semaphore_mem>>) src(%dma_wait3A_163 : memref<640x128xf32, #tpu.memory_space<vmem_shared>>) dst(%dma_wait3A_161 : memref<640x128xf32, #tpu.memory_space<hbm>>)
      tpu.yield
    }) : () -> ()
    return
  }
}

module attributes {stable_mosaic.version = 14 : i64} {
  func.func @_tc_mm1(%arg0: memref<10000x128xf32, #tpu.memory_space<vmem>>, %arg1: memref<128x128xf32, #tpu.memory_space<vmem>>, %arg2: memref<10000x128xf32, #tpu.memory_space<vmem>>) attributes {dimension_semantics = [], scalar_prefetch = 0 : i64, scratch_operands = 0 : i64, tpu.core_type = #tpu.core_type<tc>} {
    %get3A = arith.constant 0 : index
    %get3A_0 = arith.constant 0 : index
    %get3A_1 = vector.load %arg0[%get3A, %get3A_0] : memref<10000x128xf32, #tpu.memory_space<vmem>>, vector<10000x128xf32>
    %get3A_2 = arith.constant 0 : index
    %get3A_3 = arith.constant 0 : index
    %get3A_4 = vector.load %arg1[%get3A_2, %get3A_3] : memref<128x128xf32, #tpu.memory_space<vmem>>, vector<128x128xf32>
    %dot_general3A = arith.constant dense<0.000000e+00> : vector<10000x128xf32>
    %dot_general3A_5 = tpu.matmul %get3A_1, %get3A_4, %dot_general3A {dimension_numbers = #tpu.dot_dimension_numbers<[1], [0], [0], [1], [0, 0, 1, 1], [], []>, transpose_lhs_hint = false} : vector<10000x128xf32>, vector<128x128xf32>, vector<10000x128xf32> -> vector<10000x128xf32>
    %swap3A = arith.constant 0 : index
    %swap3A_6 = arith.constant 0 : index
    %swap3A_7 = vector.load %arg2[%swap3A, %swap3A_6] : memref<10000x128xf32, #tpu.memory_space<vmem>>, vector<10000x128xf32>
    tpu.vector_store %arg2[%swap3A, %swap3A_6], %dot_general3A_5 {strides = array<i32>} : memref<10000x128xf32, #tpu.memory_space<vmem>>, vector<10000x128xf32>,
    return
  }
}

module attributes {stable_mosaic.version = 14 : i64} {
  func.func @_tc_scale(%arg0: memref<2x10240xf32, #tpu.memory_space<vmem>>, %arg1: memref<10000x128xf32, #tpu.memory_space<vmem>>, %arg2: memref<10000x128xf32, #tpu.memory_space<vmem>>, %arg3: memref<10000x1xf32, #tpu.memory_space<vmem>>) attributes {dimension_semantics = [], scalar_prefetch = 0 : i64, scratch_operands = 0 : i64, tpu.core_type = #tpu.core_type<tc>} {
    %get3A = arith.constant 0 : index
    %get3A_0 = arith.constant 0 : index
    %get3A_1 = vector.load %arg0[%get3A, %get3A_0] : memref<2x10240xf32, #tpu.memory_space<vmem>>, vector<1x10000xf32>
    %get3A_2 = arith.constant 1 : index
    %get3A_3 = arith.constant 0 : index
    %get3A_4 = vector.load %arg0[%get3A_2, %get3A_3] : memref<2x10240xf32, #tpu.memory_space<vmem>>, vector<1x10000xf32>
    %add3A = arith.addf %get3A_1, %get3A_4 : vector<1x10000xf32>
    %add3A_5 = arith.constant 1.000000e+00 : f32
    %add3A_6 = vector.broadcast %add3A_5 : f32 to vector<1x10000xf32>
    %add3A_7 = arith.addf %add3A, %add3A_6 : vector<1x10000xf32>
    %gt3A = arith.constant 0.000000e+00 : f32
    %gt3A_8 = vector.broadcast %gt3A : f32 to vector<1x10000xf32>
    %gt3A_9 = arith.cmpf ogt, %add3A_7, %gt3A_8 : vector<1x10000xf32>
    %max3A = arith.constant 9.99999996E-13 : f32
    %max3A_10 = vector.broadcast %max3A : f32 to vector<1x10000xf32>
    %max3A_11 = arith.maximumf %add3A_7, %max3A_10 : vector<1x10000xf32>
    %rsqrt3A = math.rsqrt %max3A_11 : vector<1x10000xf32>
    %jit3A = arith.constant 0.000000e+00 : f32
    %broadcast_in_dim3A = vector.broadcast %jit3A : f32 to vector<1x10000xf32>
    %select_n3A = arith.select %gt3A_9, %rsqrt3A, %broadcast_in_dim3A : vector<1x10000xi1>, vector<1x10000xf32>
    %reshape3A = vector.shape_cast %select_n3A : vector<1x10000xf32> to vector<10000x1xf32>
    %swap3A = arith.constant 0 : index
    %swap3A_12 = arith.constant 0 : index
    %swap3A_13 = vector.load %arg3[%swap3A, %swap3A_12] : memref<10000x1xf32, #tpu.memory_space<vmem>>, vector<10000x1xf32>
    tpu.vector_store %arg3[%swap3A, %swap3A_12], %reshape3A {strides = array<i32>} : memref<10000x1xf32, #tpu.memory_space<vmem>>, vector<10000x1xf32>,
    %get3A_14 = arith.constant 0 : index
    %get3A_15 = arith.constant 0 : index
    %get3A_16 = vector.load %arg1[%get3A_14, %get3A_15] : memref<10000x128xf32, #tpu.memory_space<vmem>>, vector<10000x128xf32>
    %mul3A = vector.broadcast %reshape3A : vector<10000x1xf32> to vector<10000x128xf32>
    %mul3A_17 = arith.mulf %get3A_16, %mul3A : vector<10000x128xf32>
    %swap3A_18 = arith.constant 0 : index
    %swap3A_19 = arith.constant 0 : index
    %swap3A_20 = vector.load %arg2[%swap3A_18, %swap3A_19] : memref<10000x128xf32, #tpu.memory_space<vmem>>, vector<10000x128xf32>
    tpu.vector_store %arg2[%swap3A_18, %swap3A_19], %mul3A_17 {strides = array<i32>} : memref<10000x128xf32, #tpu.memory_space<vmem>>, vector<10000x128xf32>,
    return
  }
}

module attributes {stable_mosaic.version = 14 : i64} {
  func.func @_tc_mid(%arg0: memref<2x10240x128xf32, #tpu.memory_space<vmem>>, %arg1: memref<10000x128xf32, #tpu.memory_space<vmem>>, %arg2: memref<10000x1xf32, #tpu.memory_space<vmem>>, %arg3: memref<1x128xf32, #tpu.memory_space<vmem>>, %arg4: memref<1x128xf32, #tpu.memory_space<vmem>>, %arg5: memref<1x128xf32, #tpu.memory_space<vmem>>, %arg6: memref<128x128xf32, #tpu.memory_space<vmem>>, %arg7: memref<10000x128xf32, #tpu.memory_space<vmem>>, %arg8: memref<10000x128xf32, #tpu.memory_space<vmem>>) attributes {dimension_semantics = [], scalar_prefetch = 0 : i64, scratch_operands = 0 : i64, tpu.core_type = #tpu.core_type<tc>} {
    %get3A = arith.constant 0 : index
    %get3A_0 = arith.constant 0 : index
    %get3A_1 = vector.load %arg2[%get3A, %get3A_0] : memref<10000x1xf32, #tpu.memory_space<vmem>>, vector<10000x1xf32>
    %get3A_2 = arith.constant 0 : index
    %get3A_3 = arith.constant 0 : index
    %get3A_4 = vector.load %arg1[%get3A_2, %get3A_3] : memref<10000x128xf32, #tpu.memory_space<vmem>>, vector<10000x128xf32>
    %get3A_5 = arith.constant 0 : index
    %get3A_6 = arith.constant 0 : index
    %get3A_7 = arith.constant 0 : index
    %get3A_8 = vector.load %arg0[%get3A_5, %get3A_6, %get3A_7] : memref<2x10240x128xf32, #tpu.memory_space<vmem>>, vector<1x10000x128xf32>
    %get3A_9 = vector.shape_cast %get3A_8 : vector<1x10000x128xf32> to vector<10000x128xf32>
    %get3A_10 = arith.constant 1 : index
    %get3A_11 = arith.constant 0 : index
    %get3A_12 = arith.constant 0 : index
    %get3A_13 = vector.load %arg0[%get3A_10, %get3A_11, %get3A_12] : memref<2x10240x128xf32, #tpu.memory_space<vmem>>, vector<1x10000x128xf32>
    %get3A_14 = vector.shape_cast %get3A_13 : vector<1x10000x128xf32> to vector<10000x128xf32>
    %add3A = arith.addf %get3A_9, %get3A_14 : vector<10000x128xf32>
    %add3A_15 = arith.addf %add3A, %get3A_4 : vector<10000x128xf32>
    %mul3A = vector.broadcast %get3A_1 : vector<10000x1xf32> to vector<10000x128xf32>
    %mul3A_16 = arith.mulf %mul3A, %add3A_15 : vector<10000x128xf32>
    %get3A_17 = arith.constant 0 : index
    %get3A_18 = arith.constant 0 : index
    %get3A_19 = vector.load %arg3[%get3A_17, %get3A_18] : memref<1x128xf32, #tpu.memory_space<vmem>>, vector<1x128xf32>
    %add3A_20 = vector.broadcast %get3A_19 : vector<1x128xf32> to vector<10000x128xf32>
    %add3A_21 = arith.addf %mul3A_16, %add3A_20 : vector<10000x128xf32>
    %reduce_sum3A = arith.constant dense<0.000000e+00> : vector<128xf32>
    %reduce_sum3A_22 = vector.multi_reduction <add>, %add3A_21, %reduce_sum3A [0] : vector<10000x128xf32> to vector<128xf32>
    %broadcast_in_dim3A = vector.shape_cast %reduce_sum3A_22 : vector<128xf32> to vector<1x128xf32>
    %div3A = arith.constant 1.000000e+04 : f32
    %div3A_23 = vector.broadcast %div3A : f32 to vector<1x128xf32>
    %div3A_24 = arith.divf %broadcast_in_dim3A, %div3A_23 : vector<1x128xf32>
    %sub3A = vector.broadcast %div3A_24 : vector<1x128xf32> to vector<10000x128xf32>
    %sub3A_25 = arith.subf %add3A_21, %sub3A : vector<10000x128xf32>
    %integer_pow3A = arith.mulf %sub3A_25, %sub3A_25 : vector<10000x128xf32>
    %reduce_sum3A_26 = arith.constant dense<0.000000e+00> : vector<128xf32>
    %reduce_sum3A_27 = vector.multi_reduction <add>, %integer_pow3A, %reduce_sum3A_26 [0] : vector<10000x128xf32> to vector<128xf32>
    %broadcast_in_dim3A_28 = vector.shape_cast %reduce_sum3A_27 : vector<128xf32> to vector<1x128xf32>
    %div3A_29 = arith.constant 1.000000e+04 : f32
    %div3A_30 = vector.broadcast %div3A_29 : f32 to vector<1x128xf32>
    %div3A_31 = arith.divf %broadcast_in_dim3A_28, %div3A_30 : vector<1x128xf32>
    %get3A_32 = arith.constant 0 : index
    %get3A_33 = arith.constant 0 : index
    %get3A_34 = vector.load %arg4[%get3A_32, %get3A_33] : memref<1x128xf32, #tpu.memory_space<vmem>>, vector<1x128xf32>
    %sub3A_35 = vector.broadcast %div3A_24 : vector<1x128xf32> to vector<10000x128xf32>
    %sub3A_36 = arith.subf %add3A_21, %sub3A_35 : vector<10000x128xf32>
    %mul3A_37 = vector.broadcast %get3A_34 : vector<1x128xf32> to vector<10000x128xf32>
    %mul3A_38 = arith.mulf %mul3A_37, %sub3A_36 : vector<10000x128xf32>
    %add3A_39 = arith.constant 9.99999974E-6 : f32
    %add3A_40 = vector.broadcast %add3A_39 : f32 to vector<1x128xf32>
    %add3A_41 = arith.addf %div3A_31, %add3A_40 : vector<1x128xf32>
    %rsqrt3A = math.rsqrt %add3A_41 : vector<1x128xf32>
    %mul3A_42 = vector.broadcast %rsqrt3A : vector<1x128xf32> to vector<10000x128xf32>
    %mul3A_43 = arith.mulf %mul3A_38, %mul3A_42 : vector<10000x128xf32>
    %get3A_44 = arith.constant 0 : index
    %get3A_45 = arith.constant 0 : index
    %get3A_46 = vector.load %arg5[%get3A_44, %get3A_45] : memref<1x128xf32, #tpu.memory_space<vmem>>, vector<1x128xf32>
    %add3A_47 = vector.broadcast %get3A_46 : vector<1x128xf32> to vector<10000x128xf32>
    %add3A_48 = arith.addf %mul3A_43, %add3A_47 : vector<10000x128xf32>
    %max3A = arith.constant 0.000000e+00 : f32
    %max3A_49 = vector.broadcast %max3A : f32 to vector<10000x128xf32>
    %max3A_50 = arith.maximumf %add3A_48, %max3A_49 : vector<10000x128xf32>
    %swap3A = arith.constant 0 : index
    %swap3A_51 = arith.constant 0 : index
    %swap3A_52 = vector.load %arg7[%swap3A, %swap3A_51] : memref<10000x128xf32, #tpu.memory_space<vmem>>, vector<10000x128xf32>
    tpu.vector_store %arg7[%swap3A, %swap3A_51], %max3A_50 {strides = array<i32>} : memref<10000x128xf32, #tpu.memory_space<vmem>>, vector<10000x128xf32>,
    %get3A_53 = arith.constant 0 : index
    %get3A_54 = arith.constant 0 : index
    %get3A_55 = vector.load %arg6[%get3A_53, %get3A_54] : memref<128x128xf32, #tpu.memory_space<vmem>>, vector<128x128xf32>
    %dot_general3A = arith.constant dense<0.000000e+00> : vector<10000x128xf32>
    %dot_general3A_56 = tpu.matmul %max3A_50, %get3A_55, %dot_general3A {dimension_numbers = #tpu.dot_dimension_numbers<[1], [0], [0], [1], [0, 0, 1, 1], [], []>, transpose_lhs_hint = false} : vector<10000x128xf32>, vector<128x128xf32>, vector<10000x128xf32> -> vector<10000x128xf32>
    %mul3A_57 = vector.broadcast %get3A_1 : vector<10000x1xf32> to vector<10000x128xf32>
    %mul3A_58 = arith.mulf %dot_general3A_56, %mul3A_57 : vector<10000x128xf32>
    %swap3A_59 = arith.constant 0 : index
    %swap3A_60 = arith.constant 0 : index
    %swap3A_61 = vector.load %arg8[%swap3A_59, %swap3A_60] : memref<10000x128xf32, #tpu.memory_space<vmem>>, vector<10000x128xf32>
    tpu.vector_store %arg8[%swap3A_59, %swap3A_60], %mul3A_58 {strides = array<i32>} : memref<10000x128xf32, #tpu.memory_space<vmem>>, vector<10000x128xf32>,
    return
  }
}

module attributes {stable_mosaic.version = 14 : i64} {
  func.func @_tc_post(%arg0: memref<2x10240x128xf32, #tpu.memory_space<vmem>>, %arg1: memref<10000x128xf32, #tpu.memory_space<vmem>>, %arg2: memref<10000x1xf32, #tpu.memory_space<vmem>>, %arg3: memref<1x128xf32, #tpu.memory_space<vmem>>, %arg4: memref<10000x128xf32, #tpu.memory_space<vmem>>, %arg5: memref<256x40xf32, #tpu.memory_space<vmem>>, %arg6: memref<1x40xf32, #tpu.memory_space<vmem>>, %arg7: memref<10000x40xf32, #tpu.memory_space<vmem>>) attributes {dimension_semantics = [], scalar_prefetch = 0 : i64, scratch_operands = 0 : i64, tpu.core_type = #tpu.core_type<tc>} {
    %get3A = arith.constant 0 : index
    %get3A_0 = arith.constant 0 : index
    %get3A_1 = vector.load %arg2[%get3A, %get3A_0] : memref<10000x1xf32, #tpu.memory_space<vmem>>, vector<10000x1xf32>
    %get3A_2 = arith.constant 0 : index
    %get3A_3 = arith.constant 0 : index
    %get3A_4 = arith.constant 0 : index
    %get3A_5 = vector.load %arg0[%get3A_2, %get3A_3, %get3A_4] : memref<2x10240x128xf32, #tpu.memory_space<vmem>>, vector<1x10000x128xf32>
    %get3A_6 = vector.shape_cast %get3A_5 : vector<1x10000x128xf32> to vector<10000x128xf32>
    %get3A_7 = arith.constant 1 : index
    %get3A_8 = arith.constant 0 : index
    %get3A_9 = arith.constant 0 : index
    %get3A_10 = vector.load %arg0[%get3A_7, %get3A_8, %get3A_9] : memref<2x10240x128xf32, #tpu.memory_space<vmem>>, vector<1x10000x128xf32>
    %get3A_11 = vector.shape_cast %get3A_10 : vector<1x10000x128xf32> to vector<10000x128xf32>
    %add3A = arith.addf %get3A_6, %get3A_11 : vector<10000x128xf32>
    %get3A_12 = arith.constant 0 : index
    %get3A_13 = arith.constant 0 : index
    %get3A_14 = vector.load %arg1[%get3A_12, %get3A_13] : memref<10000x128xf32, #tpu.memory_space<vmem>>, vector<10000x128xf32>
    %add3A_15 = arith.addf %add3A, %get3A_14 : vector<10000x128xf32>
    %mul3A = vector.broadcast %get3A_1 : vector<10000x1xf32> to vector<10000x128xf32>
    %mul3A_16 = arith.mulf %mul3A, %add3A_15 : vector<10000x128xf32>
    %get3A_17 = arith.constant 0 : index
    %get3A_18 = arith.constant 0 : index
    %get3A_19 = vector.load %arg3[%get3A_17, %get3A_18] : memref<1x128xf32, #tpu.memory_space<vmem>>, vector<1x128xf32>
    %add3A_20 = vector.broadcast %get3A_19 : vector<1x128xf32> to vector<10000x128xf32>
    %add3A_21 = arith.addf %mul3A_16, %add3A_20 : vector<10000x128xf32>
    %get3A_22 = arith.constant 0 : index
    %get3A_23 = arith.constant 0 : index
    %get3A_24 = vector.load %arg4[%get3A_22, %get3A_23] : memref<10000x128xf32, #tpu.memory_space<vmem>>, vector<10000x128xf32>
    %get3A_25 = arith.constant 0 : index
    %get3A_26 = arith.constant 0 : index
    %get3A_27 = vector.load %arg5[%get3A_25, %get3A_26] : memref<256x40xf32, #tpu.memory_space<vmem>>, vector<128x40xf32>
    %dot_general3A = arith.constant dense<0.000000e+00> : vector<10000x40xf32>
    %dot_general3A_28 = tpu.matmul %get3A_24, %get3A_27, %dot_general3A {dimension_numbers = #tpu.dot_dimension_numbers<[1], [0], [0], [1], [0, 0, 1, 1], [], []>, transpose_lhs_hint = false} : vector<10000x128xf32>, vector<128x40xf32>, vector<10000x40xf32> -> vector<10000x40xf32>
    %get3A_29 = arith.constant 128 : index
    %get3A_30 = arith.constant 0 : index
    %get3A_31 = vector.load %arg5[%get3A_29, %get3A_30] : memref<256x40xf32, #tpu.memory_space<vmem>>, vector<128x40xf32>
    %dot_general3A_32 = arith.constant dense<0.000000e+00> : vector<10000x40xf32>
    %dot_general3A_33 = tpu.matmul %add3A_21, %get3A_31, %dot_general3A_32 {dimension_numbers = #tpu.dot_dimension_numbers<[1], [0], [0], [1], [0, 0, 1, 1], [], []>, transpose_lhs_hint = false} : vector<10000x128xf32>, vector<128x40xf32>, vector<10000x40xf32> -> vector<10000x40xf32>
    %add3A_34 = arith.addf %dot_general3A_28, %dot_general3A_33 : vector<10000x40xf32>
    %get3A_35 = arith.constant 0 : index
    %get3A_36 = arith.constant 0 : index
    %get3A_37 = vector.load %arg6[%get3A_35, %get3A_36] : memref<1x40xf32, #tpu.memory_space<vmem>>, vector<1x40xf32>
    %add3A_38 = vector.broadcast %get3A_37 : vector<1x40xf32> to vector<10000x40xf32>
    %add3A_39 = arith.addf %add3A_34, %add3A_38 : vector<10000x40xf32>
    %reduce_max3A = arith.constant dense<0xFF800000> : vector<10000xf32>
    %reduce_max3A_40 = vector.multi_reduction <maximumf>, %add3A_39, %reduce_max3A [1] : vector<10000x40xf32> to vector<10000xf32>
    %broadcast_in_dim3A = vector.shape_cast %reduce_max3A_40 : vector<10000xf32> to vector<10000x1xf32>
    %sub3A = vector.broadcast %broadcast_in_dim3A : vector<10000x1xf32> to vector<10000x40xf32>
    %sub3A_41 = arith.subf %add3A_39, %sub3A : vector<10000x40xf32>
    %exp3A = math.exp %sub3A_41 : vector<10000x40xf32>
    %reduce_sum3A = arith.constant dense<0.000000e+00> : vector<10000xf32>
    %reduce_sum3A_42 = vector.multi_reduction <add>, %exp3A, %reduce_sum3A [1] : vector<10000x40xf32> to vector<10000xf32>
    %broadcast_in_dim3A_43 = vector.shape_cast %reduce_sum3A_42 : vector<10000xf32> to vector<10000x1xf32>
    %log3A = math.log %broadcast_in_dim3A_43 : vector<10000x1xf32>
    %sub3A_44 = vector.broadcast %log3A : vector<10000x1xf32> to vector<10000x40xf32>
    %sub3A_45 = arith.subf %sub3A_41, %sub3A_44 : vector<10000x40xf32>
    %swap3A = arith.constant 0 : index
    %swap3A_46 = arith.constant 0 : index
    %swap3A_47 = vector.load %arg7[%swap3A, %swap3A_46] : memref<10000x40xf32, #tpu.memory_space<vmem>>, vector<10000x40xf32>
    tpu.vector_store %arg7[%swap3A, %swap3A_46], %sub3A_45 {strides = array<i32>} : memref<10000x40xf32, #tpu.memory_space<vmem>>, vector<10000x40xf32>,
    return
  }
}

</mosaic_0001>

<sc_bundles>
// kernel: kernel.12.cloned.1.call-start
scs
__scs_entry_jumppad:
0x0: {  	(pc) =	sbr.rel $0x88, $3  }
0x1: {  	(tag) =	ssettag $0x0;
	lr =	simm.s32 $0x1  }
0x2: {  	[smem:$0x3F97] =	sst lr;
	_ =	strace $0xD0000000  }
0x3: {  	_ = 	snop  }
0x4: {  	_ = 	snop  }
0x5: {  	_ = 	snop  }
0x6: {  	_ = 	snop  }
0x7: {  	_ = 	snop  }
__scs_overlays_trampoline_lowered:
0x8: {  	[smem:$0x3FA6] =	sst s0  }
0x9: {  	[smem:$0x3FA7] =	sst s1  }
0xa: {  	[smem:$0x3FA8] =	sst s2  }
0xb: {  	[smem:$0x3FA9] =	sst s3  }
0xc: {  	[smem:$0x3FAA] =	sst s4  }
0xd: {  	[smem:$0x3FAB] =	sst s5  }
0xe: {  	[smem:$0x3FAC] =	sst s6  }
0xf: {  	[smem:$0x3FAD] =	sst s7  }
0x10: {  	[smem:$0x3FAE] =	sst s8  }
0x11: {  	[smem:$0x3FAF] =	sst s9;
	s0 =	simm.s32 @!p0 $0x0  }
0x12: {  	s1 =	sld [smem:$0x3F95];
	s0 =	simm.s32 @p0 $0x1  }
0x13: {  	[smem:$0x3FB0] =	sst s0;
	s0 =	simm.s32 @!p1 $0x0  }
0x14: {  	s2 =	sld [smem:$0x3F94];
	s0 =	simm.s32 @p1 $0x1  }
0x15: {  	[smem:$0x3FB1] =	sst s0;
	s0 =	simm.s32 @!p2 $0x0  }
0x16: {  	s3 =	sld [smem:$0x3FDB];
	s0 =	simm.s32 @p2 $0x1  }
0x17: {  	s4 =	simm.s32 $0x1BF5;
	[smem:$0x3FB3] =	sst s0  }
0x18: {  	s0 =	sld [smem:$0x3F96];
	_ =	swait.ge [sflag:s4], $0x0  }
0x19: {  	s7 =	sld [smem:$0x3F97]  }
0x1a: {  	s8 =	sadd.s32 $0xFFFFE003, lr  }
0x1b: {  	s9 =	sadd.s32 $0xFFFFFEF7, lr;
	s5 =	simm.s32 $0xFFFFFFFF;
	p2 =	slt.u32 s8, $0xFFFFF086  }
0x1c: {  	p1 =	slt.u32 s9, $0xF7A;
	s5 =	simm.s32 @!p2 $0x0  }
0x1d: {  	s5 =	simm.s32 @p1 $0x1;
	p0 =	seq.s32 s7, s2  }
0x1e: {  	s7 =	smul.u32 @!p0 $0xF7A, s2;
	p2 =	seq.s32 @!p0 s5, $0x0  }
0x1f: {  	s9 =	smul.u32 $0xF7A, s1;
	s8 =	simm.s32 @!p0 $0x1BF5;
	p2 =	por !p2, p0  }
0x20: {  	[sflag:s8] =	ssyncset.s32 @!p0 $0xFFFFF086;
	s6 =	sadd.s32 @!p0 s3, s7;
	s7 =	simm.s32 @!p0 $0x108  }
0x21: {  	s3 =	sadd.s32 s3, s9;
	s6 =	sadd.s32 @!p0 $0x88, s6;
	s7 =	simm.s32 @p2 $0x1082  }
0x22: {  	[simem:s7], [sflag:s8] =	dma.local @!p0 [hbm:s6], $0xF7A  }
0x23: {  	s9 =	sor.u32 $0xD0000000, s2;
	s6 =	simm.s32 $0x108;
	_ =	swait.ge @!p0 [sflag:s8], $0x0  }
0x24: {  	s3 =	sadd.s32 $0x88, s3;
	s6 =	simm.s32 @!p1 $0x1082;
	[sflag:s4] =	ssyncset.s32 $0xFFFFF086  }
0x25: {  	[simem:s6], [sflag:s4] =	dma.local [hbm:s3], $0xF7A  }
0x26: {  	[smem:$0x3F97] =	sst s1;
	(tag) =	ssettag s2;
	_ =	strace s9  }
0x27: {  	s1 =	sld [smem:$0x3FA7]  }
0x28: {  	s2 =	sld [smem:$0x3FA8]  }
0x29: {  	s4 =	sld [smem:$0x3FAA]  }
0x2a: {  	p0 =	seq.s32 s5, $0x0;
	s5 =	sld [smem:$0x3FAB]  }
0x2b: {  	s6 =	sld [smem:$0x3FAC]  }
0x2c: {  	s7 =	sld [smem:$0x3FAD]  }
0x2d: {  	s3 =	simm.s32 $0x108;
	s8 =	sld [smem:$0x3FAE]  }
0x2e: {  	s3 =	simm.s32 @!p0 $0x1082;
	s9 =	sld [smem:$0x3FAF]  }
0x2f: {  	lr =	sadd.s32 s0, s3;
	s0 =	sld [smem:$0x3FA6]  }
0x30: {  	s3 =	sld [smem:$0x3FA9]  }
0x31: {  	[smem:$0x3FB2] =	sst s10  }
0x32: {  	s10 =	sld [smem:$0x3FB0];
	_ =	sdelay $0x3  }
0x33: {  	p0 =	seq.s32 s10, $0x1;
	s10 =	sld [smem:$0x3FB2];
	_ =	sdelay $0x3  }
0x34: {  	[smem:$0x3FB2] =	sst s10  }
0x35: {  	s10 =	sld [smem:$0x3FB1];
	_ =	sdelay $0x3  }
0x36: {  	p1 =	seq.s32 s10, $0x1;
	s10 =	sld [smem:$0x3FB2];
	_ =	sdelay $0x3  }
0x37: {  	[smem:$0x3FB2] =	sst s10  }
0x38: {  	s10 =	sld [smem:$0x3FB3]  }
0x39: {  	_ = 	snop;
	(pc) =	sbr.ind lr, $3  }
0x3a: {  	_ = 	snop  }
0x3b: {  	_ = 	snop  }
0x3c: {  	p2 =	seq.s32 s10, $0x1;
	s10 =	sld [smem:$0x3FB2]  }
0x3d: {  	_ =	shalt  }
0x3e: {  	_ =	shalt  }
0x3f: {  	_ =	shalt  }
0x40: {  	_ =	shalt  }
0x41: {  	_ =	shalt  }
0x42: {  	_ =	shalt  }
0x43: {  	_ =	shalt  }
0x44: {  	_ =	shalt  }
0x45: {  	_ =	shalt  }
0x46: {  	_ =	shalt  }
0x47: {  	_ =	shalt  }
0x48: {  	_ =	shalt  }
0x49: {  	_ =	shalt  }
0x4a: {  	_ =	shalt  }
0x4b: {  	_ =	shalt  }
0x4c: {  	_ =	shalt  }
0x4d: {  	_ =	shalt  }
0x4e: {  	_ =	shalt  }
0x4f: {  	_ =	shalt  }
0x50: {  	_ =	shalt  }
0x51: {  	_ =	shalt  }
0x52: {  	_ =	shalt  }
0x53: {  	_ =	shalt  }
0x54: {  	_ =	shalt  }
0x55: {  	_ =	shalt  }
0x56: {  	_ =	shalt  }
0x57: {  	_ =	shalt  }
0x58: {  	_ =	shalt  }
0x59: {  	_ =	shalt  }
0x5a: {  	_ =	shalt  }
0x5b: {  	_ =	shalt  }
0x5c: {  	_ =	shalt  }
0x5d: {  	_ =	shalt  }
0x5e: {  	_ =	shalt  }
0x5f: {  	_ =	shalt  }
0x60: {  	_ =	shalt  }
0x61: {  	_ =	shalt  }
0x62: {  	_ =	shalt  }
0x63: {  	_ =	shalt  }
0x64: {  	_ =	shalt  }
0x65: {  	_ =	shalt  }
0x66: {  	_ =	shalt  }
0x67: {  	_ =	shalt  }
0x68: {  	_ =	shalt  }
0x69: {  	_ =	shalt  }
0x6a: {  	_ =	shalt  }
0x6b: {  	_ =	shalt  }
0x6c: {  	_ =	shalt  }
0x6d: {  	_ =	shalt  }
0x6e: {  	_ =	shalt  }
0x6f: {  	_ =	shalt  }
0x70: {  	_ =	shalt  }
0x71: {  	_ =	shalt  }
0x72: {  	_ =	shalt  }
0x73: {  	_ =	shalt  }
0x74: {  	_ =	shalt  }
0x75: {  	_ =	shalt  }
0x76: {  	_ =	shalt  }
0x77: {  	_ =	shalt  }
0x78: {  	_ =	shalt  }
0x79: {  	_ =	shalt  }
0x7a: {  	_ =	shalt  }
0x7b: {  	_ =	shalt  }
0x7c: {  	_ =	shalt  }
0x7d: {  	_ =	shalt  }
0x7e: {  	_ =	shalt  }
0x7f: {  	_ =	shalt  }
0x80: {  	_ =	shalt  }
0x81: {  	_ =	shalt  }
0x82: {  	_ =	shalt  }
0x83: {  	_ =	shalt  }
0x84: {  	_ =	shalt  }
0x85: {  	_ =	shalt  }
0x86: {  	_ =	shalt  }
0x87: {  	_ =	shalt  }
.Lfunc_end0:
.L_simem_size_0:
called_computation.1_lowered:
.L_overlay_start_0:
0x88: {  	s2 =	sld [smem:$0x3FD9]  }
0x89: {  	s3 =	sld [smem:$0x3FFE];
	_ =	sdelay $0x1  }
0x8a: {  	s1 =	srdreg.scid  }
0x8b: {  	s0 =	sand.u32 $0x1, s1  }
0x8c: {  	s17 =	sshll.u32 s0, $0xA;
	s2 =	sadd.s32 s3, s2  }
0x8d: {  	s2 =	sadd.s32 s2, s17  }
0x8e: {  	[smem:$0x3FBE] =	sst s2  }
0x8f: {  	_ = 	snop  }
0x90: {  	s2 =	sld [smem:$0x3FD0];
	(tm) =	ssettm $0x1  }
0x91: {  	s18 =	sld [smem:$0x3FFB];
	_ =	sdelay $0x3  }
0x92: {  	_ =	strace s18  }
0x93: {  	s3 =	sld [smem:$0x3FFC];
	_ =	sdelay $0x3  }
0x94: {  	_ =	strace s3  }
0x95: {  	s3 =	sld [smem:$0x3FFD];
	_ =	sdelay $0x3  }
0x96: {  	_ =	strace s3  }
0x97: {  	_ =	strace $0x8FFFFFFF  }
0x98: {  	s19 =	sld [smem:$0x3FDB];
	_ =	sdelay $0x1  }
0x99: {  	s4 =	simm.s32 $_scs_section_size  }
0x9a: {  	s5 =	simm.s32 $_size__tile_overlayer_lowered;
	s6 =	simm.s32 $_tile_overlayer_lowered  }
0x9b: {  	s22 =	simm.s32 $0x1BFF;
	s21 =	sshll.u32 s6, $0x1;
	s3 =	sadd.s32 s4, s19  }
0x9c: {  	s7 =	simm.s32 $0x0;
	s20 =	sshll.u32 s5, $0x1;
	s5 =	sadd.s32 s21, s3  }
0x9d: {  	[timem:s7], [sflag:s22] =	dma.local [hbm:s5], s20  }
0x9e: {  	_ =	swait.ge [sflag:s22], s20  }
0x9f: {  	s4 =	ssub.s32 $0x0, s20;
	[sflag:s22] =	ssyncset.done $0x0  }
0xa0: {  	[sflag:s22] =	ssyncadd.s32 s4;
	_ =	sdelay $0x1  }
0xa1: {  	s23 =	simm.s32 $0x1B8B  }
0xa2: {  	_ =	swait.ge [sflag:s23], $0x1  }
0xa3: {  	[sflag:s23] =	ssyncset.done $0x0  }
0xa4: {  	s25 =	simm.s32 $0x1B8E;
	s24 =	sld [smem:$0x3FFE];
	[sflag:s23] =	ssyncadd.s32 $0xFFFFFFFF  }
0xa5: {  	s26 =	simm.s32 $execute0_lowered;
	[smem:$0x3FD2] =	sst s25  }
0xa6: {  	s5 =	sshll.u32 s26, $0x1;
	_ =	strace $0x80000049;
	[dreg:$0x1] =	wrdreg $0xFFFFFFFF  }
0xa7: {  	s28 =	simm.s32 $_size_execute0_lowered;
	s3 =	sadd.s32 s3, s5;
	[dreg:$0x0] =	wrdreg $0x0  }
0xa8: {  	s5 =	sshll.u32 s28, $0x1;
	[dreg:$0x2] =	wrdreg s3  }
0xa9: {  	[dreg:$0x3] =	wrdreg s5  }
0xaa: {  	[dreg:$0x4] =	wrdreg $0xC0  }
0xab: {  	_ =	task [dreg:s7], $0x5FFFF  }
0xac: {  	[dreg:$0x1] =	wrdreg $0xFFFFFFFF  }
0xad: {  	[dreg:$0x0] =	wrdreg $0x60  }
0xae: {  	[dreg:$0x2] =	wrdreg s24  }
0xaf: {  	[dreg:$0x3] =	wrdreg s2  }
0xb0: {  	[dreg:$0x4] =	wrdreg $0xB7800  }
0xb1: {  	[dreg:$0x5] =	wrdreg $0x9  }
0xb2: {  	_ =	task.clear_ibuf [dreg:s7], $0x6FFFF;
	_ =	strace $0x90000049  }
0xb3: {  	s29 =	simm.s32 $0x9;
	_ =	strace $0x8000004B  }
0xb4: {  	_ =	swait.ge [sflag:s29], $0x1  }
0xb5: {  	[sflag:s29] =	ssyncadd.s32 $0xFFFFFFFF  }
0xb6: {  	_ =	strace $0x9000004B  }
0xb7: {  	_ =	sfence  }
0xb8: {  	s30 =	sld [smem:$0x0];
	_ =	sdelay $0x2  }
0xb9: {  	s31 =	sshll.u32 s1, $0xD;
	s1 =	sshrl.u32 s1, $0x2  }
0xba: {  	s3 =	sand.u32 $0x4000, s31;
	s1 =	sadd.s32 s1, s30  }
0xbb: {  	s0 =	sor.u32 s3, s0;
	s1 =	sshll.u32 s1, $0x11  }
0xbc: {  	s0 =	sor.u32 s1, s0  }
0xbd: {  	s0 =	sadd.s32 $0x8F2B, s0  }
0xbe: {  	[sflag:s0] =	ssyncadd.remote.s32 $0x1  }
0xbf: {  	_ =	sfence.sel $0xFFFF  }
0xc0: {  	[dreg:$0x0] =	wrdreg $0xFFFFFFFF;
	(pc) =	sbr.abs _section_cstart, $3  }
0xc1: {  	[dreg:$0x1] =	wrdreg $0xFFFFFFFF  }
0xc2: {  	_ =	task.clear_ibuf [dreg:s7], $0x2FFFF;
	_ =	strace $0x9FFFFFFF  }
0xc3: {  	(tm) =	ssettm $0x7FFFFFFF  }
tec
execute0_lowered:
.L_overlay_start_1:
0x0: {  	(tag) =	ssettag $0x1  }
0x1: {  	s5 =	rddreg [dreg:$0x0]  }
0x2: {  	s13 =	rddreg [dreg:$0x1]  }
0x3: {  	s1 =	rddreg [dreg:$0x2]  }
0x4: {  	s2 =	srdreg.scid;
	s0 =	rddreg [dreg:$0x3]  }
0x5: {  	s3 =	simm.s32 $0x0;
	s18 =	simm.s32 $0x1;
	s19 =	simm.s32 $0x80  }
0x6: {  	s20 =	simm.s32 $0x400;
	s21 =	simm.s32 $0x3;
	s22 =	simm.s32 $0x2780  }
0x7: {  	s23 =	simm.s32 $0x50;
	s6 =	sand.u32 $0x1, s2;
	s2 =	stileid.u32  }
0x8: {  	s24 =	simm.s32 $0x8F80;
	[smem:$0x7FF] =	sst s3;
	s7 =	smul.u32 $0x140000, s6  }
0x9: {  	s4 =	sshll.u32 s6, $0x4;
	s8 =	smul.u32 $0x14000, s2;
	_ =	strace $0x8000004A  }
0xa: {  	s6 =	ssub.s32 $0x2, s6;
	s25 =	smul.u32 $0x50000, s2;
	s31 =	sshll.u32 s2, $0x7  }
0xb: {  	s9 =	sor.u32 s2, s4;
	s4 =	sadd.s32 $0x13600, s5;
	s26 =	sshrl.u32 s6, $0x1  }
0xc: {  	s11 =	sand.u32 $0x380, s31;
	s10 =	sshll.u32 s9, $0xB;
	s7 =	sadd.s32 s8, s7  }
0xd: {  	s16 =	ssub.s32 s6, s26;
	s28 =	sshrl.u32 s25, $0x2;
	s29 =	sshrl.u32 s9, $0x3  }
0xe: {  	s25 =	simm.s32 $0x2;
	s26 =	simm.s32 $0x6580;
	s7 =	sshrl.u32 s7, $0x3  }
0xf: {  	s14 =	sadd.s32 s10, s5;
	s30 =	smul.u32 $0x13C00, s29;
	s16 =	smax.u32 s16, $0x1  }
0x10: {  	s15 =	sadd.s32 s7, s5;
	s5 =	sadd.s32 s28, s1;
	s14 =	sadd.s32 $0x3600, s14  }
0x11: {  	s6 =	sadd.s32 $0x2800, s5;
	s7 =	sadd.s32 $0x5000, s5;
	s8 =	sadd.s32 $0x7800, s5  }
0x12: {  	s9 =	sadd.s32 $0xA000, s5;
	s12 =	sor.u32 s11, s30;
	s10 =	sadd.s32 $0xC800, s5  }
0x13: {  	s11 =	sadd.s32 $0xF000, s5;
	s15 =	sadd.s32 $0x3A800, s15;
	s17 =	sshrl.u32 s12, $0x3  }
0x14: {  	v0 =	vimm.f32 $0.0e+00;
	s12 =	sadd.s32 $0x11800, s5;
	s13 =	sadd.s32 s13, s17;
	s17 =	simm.s32 $0x6780  }
.LBB2_1:
0x15: {  	s28 =	simm.s32 $0x0;
	s29 =	simm.s32 $0x200  }
.LBB2_2:
0x16: {  	p0 =	sne.s32 s29, $0x9E00;
	[tilespmem:s28+$0x67F0] =	vst v0  }
0x17: {  	[tilespmem:s28+$0x6780] =	vst v0  }
0x18: {  	[tilespmem:s28+$0x6790] =	vst v0  }
.Ltmp0:
0x19: {  	[tilespmem:s28+$0x67A0] =	vst v0;
	(pc) =	sbr.rel @p0 .LBB2_2-.Ltmp0, $4  }
0x1a: {  	[tilespmem:s28+$0x67B0] =	vst v0  }
0x1b: {  	[tilespmem:s28+$0x67C0] =	vst v0  }
0x1c: {  	[tilespmem:s28+$0x67D0] =	vst v0  }
0x1d: {  	[tilespmem:s28+$0x67E0] =	vst v0;
	s28 =	sshra.s32 s29, $0x2;
	s29 =	sadd.s32 $0x200, s29  }
0x1e: {  	[tilespmem:s28+$0x67F0] =	vst v0  }
0x1f: {  	[tilespmem:s28+$0x6780] =	vst v0  }
0x20: {  	[tilespmem:s28+$0x6790] =	vst v0  }
0x21: {  	[tilespmem:s28+$0x67A0] =	vst v0  }
0x22: {  	[tilespmem:s28+$0x67B0] =	vst v0  }
0x23: {  	[tilespmem:s28+$0x67C0] =	vst v0  }
0x24: {  	[tilespmem:s28+$0x67D0] =	vst v0  }
0x25: {  	[tilespmem:s28+$0x67E0] =	vst v0  }
0x26: {  	[spmem:s5] =	stream.linear.scatter [tilespmem:s17], [sflag:$0x1], $0x2800, $0x38;
	[tilespmem:$0x1F780] =	vst v63  }
0x27: {  	_ = 	snop  }
0x28: {  	[spmem:s6] =	stream.linear.scatter [tilespmem:s17], [sflag:$0x1], $0x2800, $0x38;
	[tilespmem:$0x1F780] =	vst v63  }
0x29: {  	_ = 	snop  }
0x2a: {  	[spmem:s7] =	stream.linear.scatter [tilespmem:s17], [sflag:$0x1], $0x2800, $0x38;
	[tilespmem:$0x1F780] =	vst v63  }
0x2b: {  	_ = 	snop  }
0x2c: {  	[spmem:s8] =	stream.linear.scatter [tilespmem:s17], [sflag:$0x1], $0x2800, $0x38;
	[tilespmem:$0x1F780] =	vst v63  }
0x2d: {  	_ = 	snop  }
0x2e: {  	[spmem:s9] =	stream.linear.scatter [tilespmem:s17], [sflag:$0x1], $0x2800, $0x38;
	[tilespmem:$0x1F780] =	vst v63  }
0x2f: {  	_ = 	snop  }
0x30: {  	[spmem:s10] =	stream.linear.scatter [tilespmem:s17], [sflag:$0x1], $0x2800, $0x38;
	[tilespmem:$0x1F780] =	vst v63  }
0x31: {  	_ = 	snop  }
0x32: {  	[spmem:s11] =	stream.linear.scatter [tilespmem:s17], [sflag:$0x1], $0x2800, $0x38;
	[tilespmem:$0x1F780] =	vst v63  }
0x33: {  	_ = 	snop  }
0x34: {  	[spmem:s12] =	stream.linear.scatter [tilespmem:s17], [sflag:$0x1], $0x2800, $0x38;
	[tilespmem:$0x1F780] =	vst v63  }
0x35: {  	_ =	swait.ge [sflag:s18], $0x2800  }
0x36: {  	[sflag:s18] =	ssyncset.done $0x0  }
0x37: {  	[sflag:s18] =	ssyncadd.s32 $0xFFFFD800  }
0x38: {  	_ =	swait.ge [sflag:s18], $0x2800  }
0x39: {  	[sflag:s18] =	ssyncset.done $0x0  }
0x3a: {  	[sflag:s18] =	ssyncadd.s32 $0xFFFFD800  }
0x3b: {  	_ =	swait.ge [sflag:s18], $0x2800  }
0x3c: {  	[sflag:s18] =	ssyncset.done $0x0  }
0x3d: {  	[sflag:s18] =	ssyncadd.s32 $0xFFFFD800  }
0x3e: {  	_ =	swait.ge [sflag:s18], $0x2800  }
0x3f: {  	[sflag:s18] =	ssyncset.done $0x0  }
0x40: {  	[sflag:s18] =	ssyncadd.s32 $0xFFFFD800  }
0x41: {  	_ =	swait.ge [sflag:s18], $0x2800  }
0x42: {  	[sflag:s18] =	ssyncset.done $0x0  }
0x43: {  	[sflag:s18] =	ssyncadd.s32 $0xFFFFD800  }
0x44: {  	_ =	swait.ge [sflag:s18], $0x2800  }
0x45: {  	[sflag:s18] =	ssyncset.done $0x0  }
0x46: {  	[sflag:s18] =	ssyncadd.s32 $0xFFFFD800  }
0x47: {  	_ =	swait.ge [sflag:s18], $0x2800  }
0x48: {  	[sflag:s18] =	ssyncset.done $0x0  }
0x49: {  	[sflag:s18] =	ssyncadd.s32 $0xFFFFD800  }
0x4a: {  	_ =	swait.ge [sflag:s18], $0x2800  }
0x4b: {  	[sflag:s18] =	ssyncset.done $0x0  }
0x4c: {  	[sflag:s18] =	ssyncadd.s32 $0xFFFFD800  }
0x4d: {  	s28 =	simm.s32 $0x0;
	[bflag:$0x0] =	sbarrier.arrive $0xFFFF  }
0x4e: {  	[tilespmem:s28], [sflag:$0x3] =	stream.strided.gather [hbm4b:s13+s19], $0x2780, s20, s19, $0x38;
	[tilespmem:$0x1F780] =	vst v63  }
0x4f: {  	_ =	swait.ge [sflag:s21], $0x2780  }
0x50: {  	[sflag:s21] =	ssyncset.done $0x0  }
0x51: {  	[sflag:s21] =	ssyncadd.s32 $0xFFFFD880  }
0x52: {  	[tilespmem:s22], [sflag:$0x3] =	stream.linear.gather [hbm4b:s14+s28], $0x3E80, $0x38;
	[tilespmem:$0x1F780] =	vst v63  }
0x53: {  	_ =	swait.ge [sflag:s21], $0x3E80  }
0x54: {  	[sflag:s21] =	ssyncset.done $0x0  }
0x55: {  	[sflag:s21] =	ssyncadd.s32 $0xFFFFC180  }
0x56: {  	[tilespmem:s17], [sflag:$0x1] =	stream.indirect.gather [hbm4b:s4+s23], $0x80, s28, s23, $0xb8;
	[tilespmem:$0x1F780] =	vst v63  }
0x57: {  	_ =	swait.ge [sflag:s18], $0x2800  }
0x58: {  	[sflag:s18] =	ssyncset.done $0x0  }
0x59: {  	s28 =	simm.s32 $0x50;
	[sflag:s18] =	ssyncadd.s32 $0xFFFFD800  }
0x5a: {  	[tilespmem:s24], [sflag:$0x2] =	stream.indirect.gather [hbm4b:s4+s23], $0x80, s28, s23, $0xb8;
	[tilespmem:$0x1F780] =	vst v63  }
0x5b: {  	s28 =	simm.s32 $0x2780  }
0x5c: {  	[spmem:s1] =	stream.indirect.scatter.add.f32 [tilespmem:s17], [sflag:$0x3], $0x80, s28, s23, $0xb8;
	[tilespmem:$0x1F780] =	vst v63  }
0x5d: {  	_ =	swait.ge [sflag:s21], $0x2800  }
0x5e: {  	[sflag:s21] =	ssyncset.done $0x0  }
0x5f: {  	[sflag:s21] =	ssyncadd.s32 $0xFFFFD800  }
0x60: {  	_ =	swait.ge [sflag:s25], $0x2800  }
0x61: {  	[sflag:s25] =	ssyncset.done $0x0  }
0x62: {  	s28 =	simm.s32 $0xA0;
	[sflag:s25] =	ssyncadd.s32 $0xFFFFD800  }
0x63: {  	[tilespmem:s17], [sflag:$0x1] =	stream.indirect.gather [hbm4b:s4+s23], $0x80, s28, s23, $0xb8;
	[tilespmem:$0x1F780] =	vst v63  }
0x64: {  	s29 =	simm.s32 $0x2800  }
0x65: {  	[spmem:s1] =	stream.indirect.scatter.add.f32 [tilespmem:s24], [sflag:$0x3], $0x80, s29, s23, $0xb8;
	[tilespmem:$0x1F780] =	vst v63  }
0x66: {  	_ =	swait.ge [sflag:s21], $0x2800  }
0x67: {  	s29 =	simm.s32 $0x400;
	[sflag:s21] =	ssyncset.done $0x0  }
.LBB2_4:
0x68: {  	p0 =	sne.s32 s29, $0xF400;
	[sflag:s21] =	ssyncadd.s32 $0xFFFFD800;
	s28 =	sadd.s32 $0xA0, s28  }
0x69: {  	s30 =	smov.u32 s29;
	s29 =	sadd.s32 $0x400, s29  }
0x6a: {  	_ =	swait.ge [sflag:s18], $0x2800  }
0x6b: {  	[sflag:s18] =	ssyncset.done $0x0  }
0x6c: {  	s31 =	sadd.s32 $0xFFFFFFB0, s28;
	s30 =	sshra.s32 s30, $0x2;
	[sflag:s18] =	ssyncadd.s32 $0xFFFFD800  }
0x6d: {  	[tilespmem:s24], [sflag:$0x2] =	stream.indirect.gather [hbm4b:s4+s23], $0x80, s31, s23, $0xb8;
	[tilespmem:$0x1F780] =	vst v63  }
0x6e: {  	s31 =	sadd.s32 $0x2780, s30  }
0x6f: {  	[spmem:s1] =	stream.indirect.scatter.add.f32 [tilespmem:s17], [sflag:$0x3], $0x80, s31, s23, $0xb8;
	[tilespmem:$0x1F780] =	vst v63  }
0x70: {  	_ =	swait.ge [sflag:s21], $0x2800  }
0x71: {  	[sflag:s21] =	ssyncset.done $0x0  }
0x72: {  	[sflag:s21] =	ssyncadd.s32 $0xFFFFD800  }
0x73: {  	_ =	swait.ge [sflag:s25], $0x2800  }
0x74: {  	[sflag:s25] =	ssyncset.done $0x0  }
0x75: {  	[sflag:s25] =	ssyncadd.s32 $0xFFFFD800  }
0x76: {  	[tilespmem:s17], [sflag:$0x1] =	stream.indirect.gather [hbm4b:s4+s23], $0x80, s28, s23, $0xb8;
	[tilespmem:$0x1F780] =	vst v63  }
.Ltmp1:
0x77: {  	_ = 	snop;
	(pc) =	sbr.rel @p0 .LBB2_4-.Ltmp1, $4  }
0x78: {  	s30 =	sadd.s32 $0x2800, s30  }
0x79: {  	[spmem:s1] =	stream.indirect.scatter.add.f32 [tilespmem:s24], [sflag:$0x3], $0x80, s30, s23, $0xb8;
	[tilespmem:$0x1F780] =	vst v63  }
0x7a: {  	_ =	swait.ge [sflag:s21], $0x2800  }
0x7b: {  	[sflag:s21] =	ssyncset.done $0x0  }
0x7c: {  	[sflag:s21] =	ssyncadd.s32 $0xFFFFD800  }
0x7d: {  	_ =	swait.ge [sflag:s18], $0x2800  }
0x7e: {  	[sflag:s18] =	ssyncset.done $0x0  }
0x7f: {  	[sflag:s18] =	ssyncadd.s32 $0xFFFFD800  }
0x80: {  	[spmem:s1] =	stream.indirect.scatter.add.f32 [tilespmem:s17], [sflag:$0x3], $0x80, s26, s23, $0xb8;
	[tilespmem:$0x1F780] =	vst v63  }
0x81: {  	_ =	swait.ge [sflag:s21], $0x2800  }
0x82: {  	s28 =	sshll.u32 s2, $0x6;
	s3 =	sadd.s32 $0x1, s3;
	[sflag:s21] =	ssyncset.done $0x0  }
0x83: {  	s29 =	sshrl.u32 s5, $0x3;
	p0 =	sne.s32 s3, s16;
	[sflag:s21] =	ssyncadd.s32 $0xFFFFD800  }
.Ltmp2:
0x84: {  	s28 =	sor.u32 $0x1C03, s28;
	[bflag:$0x0] =	sbarrier.arrive $0xFFFF;
	(pc) =	sbr.rel @p0 .LBB2_1-.Ltmp2, $4  }
0x85: {  	[hbm:s15], [sflag:s28] =	dma.local [spmem:s29], $0x2800  }
0x86: {  	_ =	swait.ge [sflag:s21], $0x2800  }
0x87: {  	[sflag:s21] =	ssyncset.done $0x0  }
0x88: {  	[sflag:s21] =	ssyncadd.s32 $0xFFFFD800  }
0x89: {  	_ =	sfence.sel $0x180000  }
0x8a: {  	[bflag:$0x0] =	sbarrier.arrive $0xFFFF  }
0x8b: {  	p0 =	sne.s32 s2, $0x0;
	_ =	strace $0x9000004A  }
0x8c: {  	s0 =	sadd.s32 @!p0 $0x100000, s0;
	[bflag:$0x2] =	sbarrier.arrive $0xFFFF  }
0x8d: {  	[sflag:s0] =	ssyncadd.tile.s32 @!p0 $0x1;
	_ =	shalt  }
.Lfunc_end2:
_tile_overlayer_lowered:
.L_overlay_start_2:
0x8e: {  	(tag) =	ssettag $0x2  }
0x8f: {  	s0 =	rddreg [dreg:$0x0];
	s2 =	stileid.u32  }
0x90: {  	s1 =	rddreg [dreg:$0x1];
	p0 =	sne.s32 s2, $0x0  }
0x91: {  	s3 =	rddreg [dreg:$0x2];
	[bflag:$0x3] =	sbarrier.arrive $0xFFFF;
	s2 =	simm.s32 @!p0 $0x1C03  }
0x92: {  	[timem:s3], [sflag:s2] =	dma.local @!p0 [hbm:s0], s1  }
0x93: {  	s0 =	simm.s32 @!p0 $0x3  }
0x94: {  	_ =	swait.ge @!p0 [sflag:s0], s1  }
0x95: {  	s1 =	ssub.s32 @!p0 $0x0, s1;
	[sflag:s0] =	ssyncset.done @!p0 $0x0  }
0x96: {  	[sflag:s0] =	ssyncadd.s32 @!p0 s1  }
0x97: {  	[bflag:$0x3] =	sbarrier.arrive $0xFFFF  }
0x98: {  	_ =	shalt  }

// kernel: kernel.15.cloned.1.call-start
scs
__scs_entry_jumppad:
0x0: {  	(pc) =	sbr.rel $0x88, $3  }
0x1: {  	(tag) =	ssettag $0x0;
	lr =	simm.s32 $0x1  }
0x2: {  	[smem:$0x3F97] =	sst lr;
	_ =	strace $0xD0000000  }
0x3: {  	_ = 	snop  }
0x4: {  	_ = 	snop  }
0x5: {  	_ = 	snop  }
0x6: {  	_ = 	snop  }
0x7: {  	_ = 	snop  }
__scs_overlays_trampoline_lowered:
0x8: {  	[smem:$0x3FA6] =	sst s0  }
0x9: {  	[smem:$0x3FA7] =	sst s1  }
0xa: {  	[smem:$0x3FA8] =	sst s2  }
0xb: {  	[smem:$0x3FA9] =	sst s3  }
0xc: {  	[smem:$0x3FAA] =	sst s4  }
0xd: {  	[smem:$0x3FAB] =	sst s5  }
0xe: {  	[smem:$0x3FAC] =	sst s6  }
0xf: {  	[smem:$0x3FAD] =	sst s7  }
0x10: {  	[smem:$0x3FAE] =	sst s8  }
0x11: {  	[smem:$0x3FAF] =	sst s9;
	s0 =	simm.s32 @!p0 $0x0  }
0x12: {  	s1 =	sld [smem:$0x3F95];
	s0 =	simm.s32 @p0 $0x1  }
0x13: {  	[smem:$0x3FB0] =	sst s0;
	s0 =	simm.s32 @!p1 $0x0  }
0x14: {  	s2 =	sld [smem:$0x3F94];
	s0 =	simm.s32 @p1 $0x1  }
0x15: {  	[smem:$0x3FB1] =	sst s0;
	s0 =	simm.s32 @!p2 $0x0  }
0x16: {  	s3 =	sld [smem:$0x3FDB];
	s0 =	simm.s32 @p2 $0x1  }
0x17: {  	s4 =	simm.s32 $0x1BF5;
	[smem:$0x3FB3] =	sst s0  }
0x18: {  	s0 =	sld [smem:$0x3F96];
	_ =	swait.ge [sflag:s4], $0x0  }
0x19: {  	s7 =	sld [smem:$0x3F97]  }
0x1a: {  	s8 =	sadd.s32 $0xFFFFE003, lr  }
0x1b: {  	s9 =	sadd.s32 $0xFFFFFEF7, lr;
	s5 =	simm.s32 $0xFFFFFFFF;
	p2 =	slt.u32 s8, $0xFFFFF086  }
0x1c: {  	p1 =	slt.u32 s9, $0xF7A;
	s5 =	simm.s32 @!p2 $0x0  }
0x1d: {  	s5 =	simm.s32 @p1 $0x1;
	p0 =	seq.s32 s7, s2  }
0x1e: {  	s7 =	smul.u32 @!p0 $0xF7A, s2;
	p2 =	seq.s32 @!p0 s5, $0x0  }
0x1f: {  	s9 =	smul.u32 $0xF7A, s1;
	s8 =	simm.s32 @!p0 $0x1BF5;
	p2 =	por !p2, p0  }
0x20: {  	[sflag:s8] =	ssyncset.s32 @!p0 $0xFFFFF086;
	s6 =	sadd.s32 @!p0 s3, s7;
	s7 =	simm.s32 @!p0 $0x108  }
0x21: {  	s3 =	sadd.s32 s3, s9;
	s6 =	sadd.s32 @!p0 $0x88, s6;
	s7 =	simm.s32 @p2 $0x1082  }
0x22: {  	[simem:s7], [sflag:s8] =	dma.local @!p0 [hbm:s6], $0xF7A  }
0x23: {  	s9 =	sor.u32 $0xD0000000, s2;
	s6 =	simm.s32 $0x108;
	_ =	swait.ge @!p0 [sflag:s8], $0x0  }
0x24: {  	s3 =	sadd.s32 $0x88, s3;
	s6 =	simm.s32 @!p1 $0x1082;
	[sflag:s4] =	ssyncset.s32 $0xFFFFF086  }
0x25: {  	[simem:s6], [sflag:s4] =	dma.local [hbm:s3], $0xF7A  }
0x26: {  	[smem:$0x3F97] =	sst s1;
	(tag) =	ssettag s2;
	_ =	strace s9  }
0x27: {  	s1 =	sld [smem:$0x3FA7]  }
0x28: {  	s2 =	sld [smem:$0x3FA8]  }
0x29: {  	s4 =	sld [smem:$0x3FAA]  }
0x2a: {  	p0 =	seq.s32 s5, $0x0;
	s5 =	sld [smem:$0x3FAB]  }
0x2b: {  	s6 =	sld [smem:$0x3FAC]  }
0x2c: {  	s7 =	sld [smem:$0x3FAD]  }
0x2d: {  	s3 =	simm.s32 $0x108;
	s8 =	sld [smem:$0x3FAE]  }
0x2e: {  	s3 =	simm.s32 @!p0 $0x1082;
	s9 =	sld [smem:$0x3FAF]  }
0x2f: {  	lr =	sadd.s32 s0, s3;
	s0 =	sld [smem:$0x3FA6]  }
0x30: {  	s3 =	sld [smem:$0x3FA9]  }
0x31: {  	[smem:$0x3FB2] =	sst s10  }
0x32: {  	s10 =	sld [smem:$0x3FB0];
	_ =	sdelay $0x3  }
0x33: {  	p0 =	seq.s32 s10, $0x1;
	s10 =	sld [smem:$0x3FB2];
	_ =	sdelay $0x3  }
0x34: {  	[smem:$0x3FB2] =	sst s10  }
0x35: {  	s10 =	sld [smem:$0x3FB1];
	_ =	sdelay $0x3  }
0x36: {  	p1 =	seq.s32 s10, $0x1;
	s10 =	sld [smem:$0x3FB2];
	_ =	sdelay $0x3  }
0x37: {  	[smem:$0x3FB2] =	sst s10  }
0x38: {  	s10 =	sld [smem:$0x3FB3]  }
0x39: {  	_ = 	snop;
	(pc) =	sbr.ind lr, $3  }
0x3a: {  	_ = 	snop  }
0x3b: {  	_ = 	snop  }
0x3c: {  	p2 =	seq.s32 s10, $0x1;
	s10 =	sld [smem:$0x3FB2]  }
0x3d: {  	_ =	shalt  }
0x3e: {  	_ =	shalt  }
0x3f: {  	_ =	shalt  }
0x40: {  	_ =	shalt  }
0x41: {  	_ =	shalt  }
0x42: {  	_ =	shalt  }
0x43: {  	_ =	shalt  }
0x44: {  	_ =	shalt  }
0x45: {  	_ =	shalt  }
0x46: {  	_ =	shalt  }
0x47: {  	_ =	shalt  }
0x48: {  	_ =	shalt  }
0x49: {  	_ =	shalt  }
0x4a: {  	_ =	shalt  }
0x4b: {  	_ =	shalt  }
0x4c: {  	_ =	shalt  }
0x4d: {  	_ =	shalt  }
0x4e: {  	_ =	shalt  }
0x4f: {  	_ =	shalt  }
0x50: {  	_ =	shalt  }
0x51: {  	_ =	shalt  }
0x52: {  	_ =	shalt  }
0x53: {  	_ =	shalt  }
0x54: {  	_ =	shalt  }
0x55: {  	_ =	shalt  }
0x56: {  	_ =	shalt  }
0x57: {  	_ =	shalt  }
0x58: {  	_ =	shalt  }
0x59: {  	_ =	shalt  }
0x5a: {  	_ =	shalt  }
0x5b: {  	_ =	shalt  }
0x5c: {  	_ =	shalt  }
0x5d: {  	_ =	shalt  }
0x5e: {  	_ =	shalt  }
0x5f: {  	_ =	shalt  }
0x60: {  	_ =	shalt  }
0x61: {  	_ =	shalt  }
0x62: {  	_ =	shalt  }
0x63: {  	_ =	shalt  }
0x64: {  	_ =	shalt  }
0x65: {  	_ =	shalt  }
0x66: {  	_ =	shalt  }
0x67: {  	_ =	shalt  }
0x68: {  	_ =	shalt  }
0x69: {  	_ =	shalt  }
0x6a: {  	_ =	shalt  }
0x6b: {  	_ =	shalt  }
0x6c: {  	_ =	shalt  }
0x6d: {  	_ =	shalt  }
0x6e: {  	_ =	shalt  }
0x6f: {  	_ =	shalt  }
0x70: {  	_ =	shalt  }
0x71: {  	_ =	shalt  }
0x72: {  	_ =	shalt  }
0x73: {  	_ =	shalt  }
0x74: {  	_ =	shalt  }
0x75: {  	_ =	shalt  }
0x76: {  	_ =	shalt  }
0x77: {  	_ =	shalt  }
0x78: {  	_ =	shalt  }
0x79: {  	_ =	shalt  }
0x7a: {  	_ =	shalt  }
0x7b: {  	_ =	shalt  }
0x7c: {  	_ =	shalt  }
0x7d: {  	_ =	shalt  }
0x7e: {  	_ =	shalt  }
0x7f: {  	_ =	shalt  }
0x80: {  	_ =	shalt  }
0x81: {  	_ =	shalt  }
0x82: {  	_ =	shalt  }
0x83: {  	_ =	shalt  }
0x84: {  	_ =	shalt  }
0x85: {  	_ =	shalt  }
0x86: {  	_ =	shalt  }
0x87: {  	_ =	shalt  }
.Lfunc_end0:
.L_simem_size_0:
called_computation.2_lowered:
.L_overlay_start_0:
0x88: {  	s2 =	sld [smem:$0x3FD9]  }
0x89: {  	s3 =	sld [smem:$0x3FFE];
	_ =	sdelay $0x1  }
0x8a: {  	s1 =	srdreg.scid  }
0x8b: {  	s0 =	sand.u32 $0x1, s1  }
0x8c: {  	s17 =	sshll.u32 s0, $0xA;
	s2 =	sadd.s32 s3, s2  }
0x8d: {  	s2 =	sadd.s32 s2, s17  }
0x8e: {  	[smem:$0x3FBE] =	sst s2  }
0x8f: {  	_ = 	snop  }
0x90: {  	s2 =	sld [smem:$0x3FD0];
	(tm) =	ssettm $0x1  }
0x91: {  	s18 =	sld [smem:$0x3FFB];
	_ =	sdelay $0x3  }
0x92: {  	_ =	strace s18  }
0x93: {  	s3 =	sld [smem:$0x3FFC];
	_ =	sdelay $0x3  }
0x94: {  	_ =	strace s3  }
0x95: {  	s3 =	sld [smem:$0x3FFD];
	_ =	sdelay $0x3  }
0x96: {  	_ =	strace s3  }
0x97: {  	_ =	strace $0x8FFFFFFF  }
0x98: {  	s19 =	sld [smem:$0x3FDB];
	_ =	sdelay $0x1  }
0x99: {  	s4 =	simm.s32 $_scs_section_size  }
0x9a: {  	s5 =	simm.s32 $_size__tile_overlayer_lowered;
	s6 =	simm.s32 $_tile_overlayer_lowered  }
0x9b: {  	s22 =	simm.s32 $0x1BFF;
	s21 =	sshll.u32 s6, $0x1;
	s3 =	sadd.s32 s4, s19  }
0x9c: {  	s7 =	simm.s32 $0x0;
	s20 =	sshll.u32 s5, $0x1;
	s5 =	sadd.s32 s21, s3  }
0x9d: {  	[timem:s7], [sflag:s22] =	dma.local [hbm:s5], s20  }
0x9e: {  	_ =	swait.ge [sflag:s22], s20  }
0x9f: {  	s4 =	ssub.s32 $0x0, s20;
	[sflag:s22] =	ssyncset.done $0x0  }
0xa0: {  	[sflag:s22] =	ssyncadd.s32 s4;
	_ =	sdelay $0x1  }
0xa1: {  	s23 =	simm.s32 $0x1B8B  }
0xa2: {  	_ =	swait.ge [sflag:s23], $0x1  }
0xa3: {  	[sflag:s23] =	ssyncset.done $0x0  }
0xa4: {  	s25 =	simm.s32 $0x1B8E;
	s24 =	sld [smem:$0x3FFE];
	[sflag:s23] =	ssyncadd.s32 $0xFFFFFFFF  }
0xa5: {  	s26 =	simm.s32 $execute0_lowered;
	[smem:$0x3FD2] =	sst s25  }
0xa6: {  	s5 =	sshll.u32 s26, $0x1;
	_ =	strace $0x8000004C;
	[dreg:$0x1] =	wrdreg $0xFFFFFFFF  }
0xa7: {  	s28 =	simm.s32 $_size_execute0_lowered;
	s3 =	sadd.s32 s3, s5;
	[dreg:$0x0] =	wrdreg $0x0  }
0xa8: {  	s5 =	sshll.u32 s28, $0x1;
	[dreg:$0x2] =	wrdreg s3  }
0xa9: {  	[dreg:$0x3] =	wrdreg s5  }
0xaa: {  	[dreg:$0x4] =	wrdreg $0xC0  }
0xab: {  	_ =	task [dreg:s7], $0x5FFFF  }
0xac: {  	[dreg:$0x1] =	wrdreg $0xFFFFFFFF  }
0xad: {  	[dreg:$0x0] =	wrdreg $0x60  }
0xae: {  	[dreg:$0x2] =	wrdreg s24  }
0xaf: {  	[dreg:$0x3] =	wrdreg s2  }
0xb0: {  	[dreg:$0x4] =	wrdreg $0xB7800  }
0xb1: {  	[dreg:$0x5] =	wrdreg $0x9  }
0xb2: {  	_ =	task.clear_ibuf [dreg:s7], $0x6FFFF;
	_ =	strace $0x9000004C  }
0xb3: {  	s29 =	simm.s32 $0x9;
	_ =	strace $0x8000004E  }
0xb4: {  	_ =	swait.ge [sflag:s29], $0x1  }
0xb5: {  	[sflag:s29] =	ssyncadd.s32 $0xFFFFFFFF  }
0xb6: {  	_ =	strace $0x9000004E  }
0xb7: {  	_ =	sfence  }
0xb8: {  	s30 =	sld [smem:$0x0];
	_ =	sdelay $0x2  }
0xb9: {  	s31 =	sshll.u32 s1, $0xD;
	s1 =	sshrl.u32 s1, $0x2  }
0xba: {  	s3 =	sand.u32 $0x4000, s31;
	s1 =	sadd.s32 s1, s30  }
0xbb: {  	s0 =	sor.u32 s3, s0;
	s1 =	sshll.u32 s1, $0x11  }
0xbc: {  	s0 =	sor.u32 s1, s0  }
0xbd: {  	s0 =	sadd.s32 $0x8F2B, s0  }
0xbe: {  	[sflag:s0] =	ssyncadd.remote.s32 $0x1  }
0xbf: {  	_ =	sfence.sel $0xFFFF  }
0xc0: {  	[dreg:$0x0] =	wrdreg $0xFFFFFFFF;
	(pc) =	sbr.abs _section_cstart, $3  }
0xc1: {  	[dreg:$0x1] =	wrdreg $0xFFFFFFFF  }
0xc2: {  	_ =	task.clear_ibuf [dreg:s7], $0x2FFFF;
	_ =	strace $0x9FFFFFFF  }
0xc3: {  	(tm) =	ssettm $0x7FFFFFFF  }
tec
execute0_lowered:
.L_overlay_start_1:
0x0: {  	(tag) =	ssettag $0x1  }
0x1: {  	s5 =	rddreg [dreg:$0x0]  }
0x2: {  	s13 =	rddreg [dreg:$0x1]  }
0x3: {  	s1 =	rddreg [dreg:$0x2]  }
0x4: {  	s2 =	srdreg.scid;
	s0 =	rddreg [dreg:$0x3]  }
0x5: {  	s3 =	simm.s32 $0x0;
	s18 =	simm.s32 $0x1;
	s19 =	simm.s32 $0x80  }
0x6: {  	s20 =	simm.s32 $0x400;
	s21 =	simm.s32 $0x3;
	s22 =	simm.s32 $0x2780  }
0x7: {  	s23 =	simm.s32 $0x50;
	s6 =	sand.u32 $0x1, s2;
	s2 =	stileid.u32  }
0x8: {  	s24 =	simm.s32 $0x8F80;
	[smem:$0x7FF] =	sst s3;
	s7 =	smul.u32 $0x140000, s6  }
0x9: {  	s4 =	sshll.u32 s6, $0x4;
	s8 =	smul.u32 $0x14000, s2;
	_ =	strace $0x8000004D  }
0xa: {  	s6 =	ssub.s32 $0x2, s6;
	s25 =	smul.u32 $0x50000, s2;
	s31 =	sshll.u32 s2, $0x7  }
0xb: {  	s9 =	sor.u32 s2, s4;
	s4 =	sadd.s32 $0x13600, s5;
	s26 =	sshrl.u32 s6, $0x1  }
0xc: {  	s11 =	sand.u32 $0x380, s31;
	s10 =	sshll.u32 s9, $0xB;
	s7 =	sadd.s32 s8, s7  }
0xd: {  	s16 =	ssub.s32 s6, s26;
	s28 =	sshrl.u32 s25, $0x2;
	s29 =	sshrl.u32 s9, $0x3  }
0xe: {  	s25 =	simm.s32 $0x2;
	s26 =	simm.s32 $0x6580;
	s7 =	sshrl.u32 s7, $0x3  }
0xf: {  	s14 =	sadd.s32 s10, s5;
	s30 =	smul.u32 $0x13C00, s29;
	s16 =	smax.u32 s16, $0x1  }
0x10: {  	s15 =	sadd.s32 s7, s5;
	s5 =	sadd.s32 s28, s1;
	s14 =	sadd.s32 $0x3600, s14  }
0x11: {  	s6 =	sadd.s32 $0x2800, s5;
	s7 =	sadd.s32 $0x5000, s5;
	s8 =	sadd.s32 $0x7800, s5  }
0x12: {  	s9 =	sadd.s32 $0xA000, s5;
	s12 =	sor.u32 s11, s30;
	s10 =	sadd.s32 $0xC800, s5  }
0x13: {  	s11 =	sadd.s32 $0xF000, s5;
	s15 =	sadd.s32 $0x3A800, s15;
	s17 =	sshrl.u32 s12, $0x3  }
0x14: {  	v0 =	vimm.f32 $0.0e+00;
	s12 =	sadd.s32 $0x11800, s5;
	s13 =	sadd.s32 s13, s17;
	s17 =	simm.s32 $0x6780  }
.LBB2_1:
0x15: {  	s28 =	simm.s32 $0x0;
	s29 =	simm.s32 $0x200  }
.LBB2_2:
0x16: {  	p0 =	sne.s32 s29, $0x9E00;
	[tilespmem:s28+$0x67F0] =	vst v0  }
0x17: {  	[tilespmem:s28+$0x6780] =	vst v0  }
0x18: {  	[tilespmem:s28+$0x6790] =	vst v0  }
.Ltmp0:
0x19: {  	[tilespmem:s28+$0x67A0] =	vst v0;
	(pc) =	sbr.rel @p0 .LBB2_2-.Ltmp0, $4  }
0x1a: {  	[tilespmem:s28+$0x67B0] =	vst v0  }
0x1b: {  	[tilespmem:s28+$0x67C0] =	vst v0  }
0x1c: {  	[tilespmem:s28+$0x67D0] =	vst v0  }
0x1d: {  	[tilespmem:s28+$0x67E0] =	vst v0;
	s28 =	sshra.s32 s29, $0x2;
	s29 =	sadd.s32 $0x200, s29  }
0x1e: {  	[tilespmem:s28+$0x67F0] =	vst v0  }
0x1f: {  	[tilespmem:s28+$0x6780] =	vst v0  }
0x20: {  	[tilespmem:s28+$0x6790] =	vst v0  }
0x21: {  	[tilespmem:s28+$0x67A0] =	vst v0  }
0x22: {  	[tilespmem:s28+$0x67B0] =	vst v0  }
0x23: {  	[tilespmem:s28+$0x67C0] =	vst v0  }
0x24: {  	[tilespmem:s28+$0x67D0] =	vst v0  }
0x25: {  	[tilespmem:s28+$0x67E0] =	vst v0  }
0x26: {  	[spmem:s5] =	stream.linear.scatter [tilespmem:s17], [sflag:$0x1], $0x2800, $0x38;
	[tilespmem:$0x1F780] =	vst v63  }
0x27: {  	_ = 	snop  }
0x28: {  	[spmem:s6] =	stream.linear.scatter [tilespmem:s17], [sflag:$0x1], $0x2800, $0x38;
	[tilespmem:$0x1F780] =	vst v63  }
0x29: {  	_ = 	snop  }
0x2a: {  	[spmem:s7] =	stream.linear.scatter [tilespmem:s17], [sflag:$0x1], $0x2800, $0x38;
	[tilespmem:$0x1F780] =	vst v63  }
0x2b: {  	_ = 	snop  }
0x2c: {  	[spmem:s8] =	stream.linear.scatter [tilespmem:s17], [sflag:$0x1], $0x2800, $0x38;
	[tilespmem:$0x1F780] =	vst v63  }
0x2d: {  	_ = 	snop  }
0x2e: {  	[spmem:s9] =	stream.linear.scatter [tilespmem:s17], [sflag:$0x1], $0x2800, $0x38;
	[tilespmem:$0x1F780] =	vst v63  }
0x2f: {  	_ = 	snop  }
0x30: {  	[spmem:s10] =	stream.linear.scatter [tilespmem:s17], [sflag:$0x1], $0x2800, $0x38;
	[tilespmem:$0x1F780] =	vst v63  }
0x31: {  	_ = 	snop  }
0x32: {  	[spmem:s11] =	stream.linear.scatter [tilespmem:s17], [sflag:$0x1], $0x2800, $0x38;
	[tilespmem:$0x1F780] =	vst v63  }
0x33: {  	_ = 	snop  }
0x34: {  	[spmem:s12] =	stream.linear.scatter [tilespmem:s17], [sflag:$0x1], $0x2800, $0x38;
	[tilespmem:$0x1F780] =	vst v63  }
0x35: {  	_ =	swait.ge [sflag:s18], $0x2800  }
0x36: {  	[sflag:s18] =	ssyncset.done $0x0  }
0x37: {  	[sflag:s18] =	ssyncadd.s32 $0xFFFFD800  }
0x38: {  	_ =	swait.ge [sflag:s18], $0x2800  }
0x39: {  	[sflag:s18] =	ssyncset.done $0x0  }
0x3a: {  	[sflag:s18] =	ssyncadd.s32 $0xFFFFD800  }
0x3b: {  	_ =	swait.ge [sflag:s18], $0x2800  }
0x3c: {  	[sflag:s18] =	ssyncset.done $0x0  }
0x3d: {  	[sflag:s18] =	ssyncadd.s32 $0xFFFFD800  }
0x3e: {  	_ =	swait.ge [sflag:s18], $0x2800  }
0x3f: {  	[sflag:s18] =	ssyncset.done $0x0  }
0x40: {  	[sflag:s18] =	ssyncadd.s32 $0xFFFFD800  }
0x41: {  	_ =	swait.ge [sflag:s18], $0x2800  }
0x42: {  	[sflag:s18] =	ssyncset.done $0x0  }
0x43: {  	[sflag:s18] =	ssyncadd.s32 $0xFFFFD800  }
0x44: {  	_ =	swait.ge [sflag:s18], $0x2800  }
0x45: {  	[sflag:s18] =	ssyncset.done $0x0  }
0x46: {  	[sflag:s18] =	ssyncadd.s32 $0xFFFFD800  }
0x47: {  	_ =	swait.ge [sflag:s18], $0x2800  }
0x48: {  	[sflag:s18] =	ssyncset.done $0x0  }
0x49: {  	[sflag:s18] =	ssyncadd.s32 $0xFFFFD800  }
0x4a: {  	_ =	swait.ge [sflag:s18], $0x2800  }
0x4b: {  	[sflag:s18] =	ssyncset.done $0x0  }
0x4c: {  	[sflag:s18] =	ssyncadd.s32 $0xFFFFD800  }
0x4d: {  	s28 =	simm.s32 $0x0;
	[bflag:$0x0] =	sbarrier.arrive $0xFFFF  }
0x4e: {  	[tilespmem:s28], [sflag:$0x3] =	stream.strided.gather [hbm4b:s13+s19], $0x2780, s20, s19, $0x38;
	[tilespmem:$0x1F780] =	vst v63  }
0x4f: {  	_ =	swait.ge [sflag:s21], $0x2780  }
0x50: {  	[sflag:s21] =	ssyncset.done $0x0  }
0x51: {  	[sflag:s21] =	ssyncadd.s32 $0xFFFFD880  }
0x52: {  	[tilespmem:s22], [sflag:$0x3] =	stream.linear.gather [hbm4b:s14+s28], $0x3E80, $0x38;
	[tilespmem:$0x1F780] =	vst v63  }
0x53: {  	_ =	swait.ge [sflag:s21], $0x3E80  }
0x54: {  	[sflag:s21] =	ssyncset.done $0x0  }
0x55: {  	[sflag:s21] =	ssyncadd.s32 $0xFFFFC180  }
0x56: {  	[tilespmem:s17], [sflag:$0x1] =	stream.indirect.gather [hbm4b:s4+s23], $0x80, s28, s23, $0xb8;
	[tilespmem:$0x1F780] =	vst v63  }
0x57: {  	_ =	swait.ge [sflag:s18], $0x2800  }
0x58: {  	[sflag:s18] =	ssyncset.done $0x0  }
0x59: {  	s28 =	simm.s32 $0x50;
	[sflag:s18] =	ssyncadd.s32 $0xFFFFD800  }
0x5a: {  	[tilespmem:s24], [sflag:$0x2] =	stream.indirect.gather [hbm4b:s4+s23], $0x80, s28, s23, $0xb8;
	[tilespmem:$0x1F780] =	vst v63  }
0x5b: {  	s28 =	simm.s32 $0x2780  }
0x5c: {  	[spmem:s1] =	stream.indirect.scatter.add.f32 [tilespmem:s17], [sflag:$0x3], $0x80, s28, s23, $0xb8;
	[tilespmem:$0x1F780] =	vst v63  }
0x5d: {  	_ =	swait.ge [sflag:s21], $0x2800  }
0x5e: {  	[sflag:s21] =	ssyncset.done $0x0  }
0x5f: {  	[sflag:s21] =	ssyncadd.s32 $0xFFFFD800  }
0x60: {  	_ =	swait.ge [sflag:s25], $0x2800  }
0x61: {  	[sflag:s25] =	ssyncset.done $0x0  }
0x62: {  	s28 =	simm.s32 $0xA0;
	[sflag:s25] =	ssyncadd.s32 $0xFFFFD800  }
0x63: {  	[tilespmem:s17], [sflag:$0x1] =	stream.indirect.gather [hbm4b:s4+s23], $0x80, s28, s23, $0xb8;
	[tilespmem:$0x1F780] =	vst v63  }
0x64: {  	s29 =	simm.s32 $0x2800  }
0x65: {  	[spmem:s1] =	stream.indirect.scatter.add.f32 [tilespmem:s24], [sflag:$0x3], $0x80, s29, s23, $0xb8;
	[tilespmem:$0x1F780] =	vst v63  }
0x66: {  	_ =	swait.ge [sflag:s21], $0x2800  }
0x67: {  	s29 =	simm.s32 $0x400;
	[sflag:s21] =	ssyncset.done $0x0  }
.LBB2_4:
0x68: {  	p0 =	sne.s32 s29, $0xF400;
	[sflag:s21] =	ssyncadd.s32 $0xFFFFD800;
	s28 =	sadd.s32 $0xA0, s28  }
0x69: {  	s30 =	smov.u32 s29;
	s29 =	sadd.s32 $0x400, s29  }
0x6a: {  	_ =	swait.ge [sflag:s18], $0x2800  }
0x6b: {  	[sflag:s18] =	ssyncset.done $0x0  }
0x6c: {  	s31 =	sadd.s32 $0xFFFFFFB0, s28;
	s30 =	sshra.s32 s30, $0x2;
	[sflag:s18] =	ssyncadd.s32 $0xFFFFD800  }
0x6d: {  	[tilespmem:s24], [sflag:$0x2] =	stream.indirect.gather [hbm4b:s4+s23], $0x80, s31, s23, $0xb8;
	[tilespmem:$0x1F780] =	vst v63  }
0x6e: {  	s31 =	sadd.s32 $0x2780, s30  }
0x6f: {  	[spmem:s1] =	stream.indirect.scatter.add.f32 [tilespmem:s17], [sflag:$0x3], $0x80, s31, s23, $0xb8;
	[tilespmem:$0x1F780] =	vst v63  }
0x70: {  	_ =	swait.ge [sflag:s21], $0x2800  }
0x71: {  	[sflag:s21] =	ssyncset.done $0x0  }
0x72: {  	[sflag:s21] =	ssyncadd.s32 $0xFFFFD800  }
0x73: {  	_ =	swait.ge [sflag:s25], $0x2800  }
0x74: {  	[sflag:s25] =	ssyncset.done $0x0  }
0x75: {  	[sflag:s25] =	ssyncadd.s32 $0xFFFFD800  }
0x76: {  	[tilespmem:s17], [sflag:$0x1] =	stream.indirect.gather [hbm4b:s4+s23], $0x80, s28, s23, $0xb8;
	[tilespmem:$0x1F780] =	vst v63  }
.Ltmp1:
0x77: {  	_ = 	snop;
	(pc) =	sbr.rel @p0 .LBB2_4-.Ltmp1, $4  }
0x78: {  	s30 =	sadd.s32 $0x2800, s30  }
0x79: {  	[spmem:s1] =	stream.indirect.scatter.add.f32 [tilespmem:s24], [sflag:$0x3], $0x80, s30, s23, $0xb8;
	[tilespmem:$0x1F780] =	vst v63  }
0x7a: {  	_ =	swait.ge [sflag:s21], $0x2800  }
0x7b: {  	[sflag:s21] =	ssyncset.done $0x0  }
0x7c: {  	[sflag:s21] =	ssyncadd.s32 $0xFFFFD800  }
0x7d: {  	_ =	swait.ge [sflag:s18], $0x2800  }
0x7e: {  	[sflag:s18] =	ssyncset.done $0x0  }
0x7f: {  	[sflag:s18] =	ssyncadd.s32 $0xFFFFD800  }
0x80: {  	[spmem:s1] =	stream.indirect.scatter.add.f32 [tilespmem:s17], [sflag:$0x3], $0x80, s26, s23, $0xb8;
	[tilespmem:$0x1F780] =	vst v63  }
0x81: {  	_ =	swait.ge [sflag:s21], $0x2800  }
0x82: {  	s28 =	sshll.u32 s2, $0x6;
	s3 =	sadd.s32 $0x1, s3;
	[sflag:s21] =	ssyncset.done $0x0  }
0x83: {  	s29 =	sshrl.u32 s5, $0x3;
	p0 =	sne.s32 s3, s16;
	[sflag:s21] =	ssyncadd.s32 $0xFFFFD800  }
.Ltmp2:
0x84: {  	s28 =	sor.u32 $0x1C03, s28;
	[bflag:$0x0] =	sbarrier.arrive $0xFFFF;
	(pc) =	sbr.rel @p0 .LBB2_1-.Ltmp2, $4  }
0x85: {  	[hbm:s15], [sflag:s28] =	dma.local [spmem:s29], $0x2800  }
0x86: {  	_ =	swait.ge [sflag:s21], $0x2800  }
0x87: {  	[sflag:s21] =	ssyncset.done $0x0  }
0x88: {  	[sflag:s21] =	ssyncadd.s32 $0xFFFFD800  }
0x89: {  	_ =	sfence.sel $0x180000  }
0x8a: {  	[bflag:$0x0] =	sbarrier.arrive $0xFFFF  }
0x8b: {  	p0 =	sne.s32 s2, $0x0;
	_ =	strace $0x9000004D  }
0x8c: {  	s0 =	sadd.s32 @!p0 $0x100000, s0;
	[bflag:$0x2] =	sbarrier.arrive $0xFFFF  }
0x8d: {  	[sflag:s0] =	ssyncadd.tile.s32 @!p0 $0x1;
	_ =	shalt  }
.Lfunc_end2:
_tile_overlayer_lowered:
.L_overlay_start_2:
0x8e: {  	(tag) =	ssettag $0x2  }
0x8f: {  	s0 =	rddreg [dreg:$0x0];
	s2 =	stileid.u32  }
0x90: {  	s1 =	rddreg [dreg:$0x1];
	p0 =	sne.s32 s2, $0x0  }
0x91: {  	s3 =	rddreg [dreg:$0x2];
	[bflag:$0x3] =	sbarrier.arrive $0xFFFF;
	s2 =	simm.s32 @!p0 $0x1C03  }
0x92: {  	[timem:s3], [sflag:s2] =	dma.local @!p0 [hbm:s0], s1  }
0x93: {  	s0 =	simm.s32 @!p0 $0x3  }
0x94: {  	_ =	swait.ge @!p0 [sflag:s0], s1  }
0x95: {  	s1 =	ssub.s32 @!p0 $0x0, s1;
	[sflag:s0] =	ssyncset.done @!p0 $0x0  }
0x96: {  	[sflag:s0] =	ssyncadd.s32 @!p0 s1  }
0x97: {  	[bflag:$0x3] =	sbarrier.arrive $0xFFFF  }
0x98: {  	_ =	shalt  }

// kernel: kernel.9.cloned.1.call-start
scs
__scs_entry_jumppad:
0x0: {  	(pc) =	sbr.rel $0x88, $3  }
0x1: {  	(tag) =	ssettag $0x0;
	lr =	simm.s32 $0x1  }
0x2: {  	[smem:$0x3F97] =	sst lr;
	_ =	strace $0xD0000000  }
0x3: {  	_ = 	snop  }
0x4: {  	_ = 	snop  }
0x5: {  	_ = 	snop  }
0x6: {  	_ = 	snop  }
0x7: {  	_ = 	snop  }
__scs_overlays_trampoline_lowered:
0x8: {  	[smem:$0x3FA6] =	sst s0  }
0x9: {  	[smem:$0x3FA7] =	sst s1  }
0xa: {  	[smem:$0x3FA8] =	sst s2  }
0xb: {  	[smem:$0x3FA9] =	sst s3  }
0xc: {  	[smem:$0x3FAA] =	sst s4  }
0xd: {  	[smem:$0x3FAB] =	sst s5  }
0xe: {  	[smem:$0x3FAC] =	sst s6  }
0xf: {  	[smem:$0x3FAD] =	sst s7  }
0x10: {  	[smem:$0x3FAE] =	sst s8  }
0x11: {  	[smem:$0x3FAF] =	sst s9;
	s0 =	simm.s32 @!p0 $0x0  }
0x12: {  	s1 =	sld [smem:$0x3F95];
	s0 =	simm.s32 @p0 $0x1  }
0x13: {  	[smem:$0x3FB0] =	sst s0;
	s0 =	simm.s32 @!p1 $0x0  }
0x14: {  	s2 =	sld [smem:$0x3F94];
	s0 =	simm.s32 @p1 $0x1  }
0x15: {  	[smem:$0x3FB1] =	sst s0;
	s0 =	simm.s32 @!p2 $0x0  }
0x16: {  	s3 =	sld [smem:$0x3FDB];
	s0 =	simm.s32 @p2 $0x1  }
0x17: {  	s4 =	simm.s32 $0x1BF5;
	[smem:$0x3FB3] =	sst s0  }
0x18: {  	s0 =	sld [smem:$0x3F96];
	_ =	swait.ge [sflag:s4], $0x0  }
0x19: {  	s7 =	sld [smem:$0x3F97]  }
0x1a: {  	s8 =	sadd.s32 $0xFFFFE003, lr  }
0x1b: {  	s9 =	sadd.s32 $0xFFFFFEF7, lr;
	s5 =	simm.s32 $0xFFFFFFFF;
	p2 =	slt.u32 s8, $0xFFFFF086  }
0x1c: {  	p1 =	slt.u32 s9, $0xF7A;
	s5 =	simm.s32 @!p2 $0x0  }
0x1d: {  	s5 =	simm.s32 @p1 $0x1;
	p0 =	seq.s32 s7, s2  }
0x1e: {  	s7 =	smul.u32 @!p0 $0xF7A, s2;
	p2 =	seq.s32 @!p0 s5, $0x0  }
0x1f: {  	s9 =	smul.u32 $0xF7A, s1;
	s8 =	simm.s32 @!p0 $0x1BF5;
	p2 =	por !p2, p0  }
0x20: {  	[sflag:s8] =	ssyncset.s32 @!p0 $0xFFFFF086;
	s6 =	sadd.s32 @!p0 s3, s7;
	s7 =	simm.s32 @!p0 $0x108  }
0x21: {  	s3 =	sadd.s32 s3, s9;
	s6 =	sadd.s32 @!p0 $0x88, s6;
	s7 =	simm.s32 @p2 $0x1082  }
0x22: {  	[simem:s7], [sflag:s8] =	dma.local @!p0 [hbm:s6], $0xF7A  }
0x23: {  	s9 =	sor.u32 $0xD0000000, s2;
	s6 =	simm.s32 $0x108;
	_ =	swait.ge @!p0 [sflag:s8], $0x0  }
0x24: {  	s3 =	sadd.s32 $0x88, s3;
	s6 =	simm.s32 @!p1 $0x1082;
	[sflag:s4] =	ssyncset.s32 $0xFFFFF086  }
0x25: {  	[simem:s6], [sflag:s4] =	dma.local [hbm:s3], $0xF7A  }
0x26: {  	[smem:$0x3F97] =	sst s1;
	(tag) =	ssettag s2;
	_ =	strace s9  }
0x27: {  	s1 =	sld [smem:$0x3FA7]  }
0x28: {  	s2 =	sld [smem:$0x3FA8]  }
0x29: {  	s4 =	sld [smem:$0x3FAA]  }
0x2a: {  	p0 =	seq.s32 s5, $0x0;
	s5 =	sld [smem:$0x3FAB]  }
0x2b: {  	s6 =	sld [smem:$0x3FAC]  }
0x2c: {  	s7 =	sld [smem:$0x3FAD]  }
0x2d: {  	s3 =	simm.s32 $0x108;
	s8 =	sld [smem:$0x3FAE]  }
0x2e: {  	s3 =	simm.s32 @!p0 $0x1082;
	s9 =	sld [smem:$0x3FAF]  }
0x2f: {  	lr =	sadd.s32 s0, s3;
	s0 =	sld [smem:$0x3FA6]  }
0x30: {  	s3 =	sld [smem:$0x3FA9]  }
0x31: {  	[smem:$0x3FB2] =	sst s10  }
0x32: {  	s10 =	sld [smem:$0x3FB0];
	_ =	sdelay $0x3  }
0x33: {  	p0 =	seq.s32 s10, $0x1;
	s10 =	sld [smem:$0x3FB2];
	_ =	sdelay $0x3  }
0x34: {  	[smem:$0x3FB2] =	sst s10  }
0x35: {  	s10 =	sld [smem:$0x3FB1];
	_ =	sdelay $0x3  }
0x36: {  	p1 =	seq.s32 s10, $0x1;
	s10 =	sld [smem:$0x3FB2];
	_ =	sdelay $0x3  }
0x37: {  	[smem:$0x3FB2] =	sst s10  }
0x38: {  	s10 =	sld [smem:$0x3FB3]  }
0x39: {  	_ = 	snop;
	(pc) =	sbr.ind lr, $3  }
0x3a: {  	_ = 	snop  }
0x3b: {  	_ = 	snop  }
0x3c: {  	p2 =	seq.s32 s10, $0x1;
	s10 =	sld [smem:$0x3FB2]  }
0x3d: {  	_ =	shalt  }
0x3e: {  	_ =	shalt  }
0x3f: {  	_ =	shalt  }
0x40: {  	_ =	shalt  }
0x41: {  	_ =	shalt  }
0x42: {  	_ =	shalt  }
0x43: {  	_ =	shalt  }
0x44: {  	_ =	shalt  }
0x45: {  	_ =	shalt  }
0x46: {  	_ =	shalt  }
0x47: {  	_ =	shalt  }
0x48: {  	_ =	shalt  }
0x49: {  	_ =	shalt  }
0x4a: {  	_ =	shalt  }
0x4b: {  	_ =	shalt  }
0x4c: {  	_ =	shalt  }
0x4d: {  	_ =	shalt  }
0x4e: {  	_ =	shalt  }
0x4f: {  	_ =	shalt  }
0x50: {  	_ =	shalt  }
0x51: {  	_ =	shalt  }
0x52: {  	_ =	shalt  }
0x53: {  	_ =	shalt  }
0x54: {  	_ =	shalt  }
0x55: {  	_ =	shalt  }
0x56: {  	_ =	shalt  }
0x57: {  	_ =	shalt  }
0x58: {  	_ =	shalt  }
0x59: {  	_ =	shalt  }
0x5a: {  	_ =	shalt  }
0x5b: {  	_ =	shalt  }
0x5c: {  	_ =	shalt  }
0x5d: {  	_ =	shalt  }
0x5e: {  	_ =	shalt  }
0x5f: {  	_ =	shalt  }
0x60: {  	_ =	shalt  }
0x61: {  	_ =	shalt  }
0x62: {  	_ =	shalt  }
0x63: {  	_ =	shalt  }
0x64: {  	_ =	shalt  }
0x65: {  	_ =	shalt  }
0x66: {  	_ =	shalt  }
0x67: {  	_ =	shalt  }
0x68: {  	_ =	shalt  }
0x69: {  	_ =	shalt  }
0x6a: {  	_ =	shalt  }
0x6b: {  	_ =	shalt  }
0x6c: {  	_ =	shalt  }
0x6d: {  	_ =	shalt  }
0x6e: {  	_ =	shalt  }
0x6f: {  	_ =	shalt  }
0x70: {  	_ =	shalt  }
0x71: {  	_ =	shalt  }
0x72: {  	_ =	shalt  }
0x73: {  	_ =	shalt  }
0x74: {  	_ =	shalt  }
0x75: {  	_ =	shalt  }
0x76: {  	_ =	shalt  }
0x77: {  	_ =	shalt  }
0x78: {  	_ =	shalt  }
0x79: {  	_ =	shalt  }
0x7a: {  	_ =	shalt  }
0x7b: {  	_ =	shalt  }
0x7c: {  	_ =	shalt  }
0x7d: {  	_ =	shalt  }
0x7e: {  	_ =	shalt  }
0x7f: {  	_ =	shalt  }
0x80: {  	_ =	shalt  }
0x81: {  	_ =	shalt  }
0x82: {  	_ =	shalt  }
0x83: {  	_ =	shalt  }
0x84: {  	_ =	shalt  }
0x85: {  	_ =	shalt  }
0x86: {  	_ =	shalt  }
0x87: {  	_ =	shalt  }
.Lfunc_end0:
.L_simem_size_0:
called_computation_lowered:
.L_overlay_start_0:
0x88: {  	s2 =	sld [smem:$0x3FD9]  }
0x89: {  	s3 =	sld [smem:$0x3FFE];
	_ =	sdelay $0x1  }
0x8a: {  	s1 =	srdreg.scid  }
0x8b: {  	s0 =	sand.u32 $0x1, s1  }
0x8c: {  	s16 =	sshll.u32 s0, $0xA;
	s2 =	sadd.s32 s3, s2  }
0x8d: {  	s2 =	sadd.s32 s2, s16  }
0x8e: {  	[smem:$0x3FBE] =	sst s2  }
0x8f: {  	_ = 	snop  }
0x90: {  	(tm) =	ssettm $0x1  }
0x91: {  	s17 =	sld [smem:$0x3FFB];
	_ =	sdelay $0x3  }
0x92: {  	_ =	strace s17  }
0x93: {  	s2 =	sld [smem:$0x3FFC];
	_ =	sdelay $0x3  }
0x94: {  	_ =	strace s2  }
0x95: {  	s2 =	sld [smem:$0x3FFD];
	_ =	sdelay $0x3  }
0x96: {  	_ =	strace s2  }
0x97: {  	_ =	strace $0x8FFFFFFF  }
0x98: {  	s18 =	sld [smem:$0x3FDB];
	_ =	sdelay $0x1  }
0x99: {  	s19 =	simm.s32 $_scs_section_size  }
0x9a: {  	s4 =	simm.s32 $_size__tile_overlayer_lowered;
	s5 =	simm.s32 $_tile_overlayer_lowered  }
0x9b: {  	s22 =	simm.s32 $0x1BFF;
	s21 =	sshll.u32 s5, $0x1;
	s2 =	sadd.s32 s19, s18  }
0x9c: {  	s6 =	simm.s32 $0x0;
	s20 =	sshll.u32 s4, $0x1;
	s4 =	sadd.s32 s21, s2  }
0x9d: {  	[timem:s6], [sflag:s22] =	dma.local [hbm:s4], s20  }
0x9e: {  	_ =	swait.ge [sflag:s22], s20  }
0x9f: {  	s3 =	ssub.s32 $0x0, s20;
	[sflag:s22] =	ssyncset.done $0x0  }
0xa0: {  	[sflag:s22] =	ssyncadd.s32 s3;
	_ =	sdelay $0x1  }
0xa1: {  	s23 =	simm.s32 $0x1B8B  }
0xa2: {  	_ =	swait.ge [sflag:s23], $0x1  }
0xa3: {  	[sflag:s23] =	ssyncset.done $0x0  }
0xa4: {  	s25 =	simm.s32 $0x1B8E;
	s24 =	sld [smem:$0x3FFE];
	[sflag:s23] =	ssyncadd.s32 $0xFFFFFFFF  }
0xa5: {  	s26 =	simm.s32 $execute0_lowered;
	[smem:$0x3FD2] =	sst s25  }
0xa6: {  	s4 =	sshll.u32 s26, $0x1;
	_ =	strace $0x80000046;
	[dreg:$0x1] =	wrdreg $0xFFFFFFFF  }
0xa7: {  	s28 =	simm.s32 $_size_execute0_lowered;
	s2 =	sadd.s32 s2, s4;
	[dreg:$0x0] =	wrdreg $0x0  }
0xa8: {  	s4 =	sshll.u32 s28, $0x1;
	[dreg:$0x2] =	wrdreg s2  }
0xa9: {  	[dreg:$0x3] =	wrdreg s4  }
0xaa: {  	[dreg:$0x4] =	wrdreg $0xC0  }
0xab: {  	_ =	task [dreg:s6], $0x5FFFF  }
0xac: {  	[dreg:$0x1] =	wrdreg $0xFFFFFFFF  }
0xad: {  	[dreg:$0x0] =	wrdreg $0x60  }
0xae: {  	[dreg:$0x2] =	wrdreg s24  }
0xaf: {  	[dreg:$0x3] =	wrdreg $0x43000  }
0xb0: {  	[dreg:$0x4] =	wrdreg $0x9  }
0xb1: {  	_ =	task.clear_ibuf [dreg:s6], $0x5FFFF;
	_ =	strace $0x90000046  }
0xb2: {  	s29 =	simm.s32 $0x9;
	_ =	strace $0x80000048  }
0xb3: {  	_ =	swait.ge [sflag:s29], $0x1  }
0xb4: {  	[sflag:s29] =	ssyncadd.s32 $0xFFFFFFFF  }
0xb5: {  	_ =	strace $0x90000048  }
0xb6: {  	_ =	sfence  }
0xb7: {  	s30 =	sld [smem:$0x0];
	_ =	sdelay $0x2  }
0xb8: {  	s31 =	sshll.u32 s1, $0xD;
	s1 =	sshrl.u32 s1, $0x2  }
0xb9: {  	s3 =	sand.u32 $0x4000, s31;
	s1 =	sadd.s32 s1, s30  }
0xba: {  	s0 =	sor.u32 s3, s0;
	s1 =	sshll.u32 s1, $0x11  }
0xbb: {  	s0 =	sor.u32 s1, s0  }
0xbc: {  	s0 =	sadd.s32 $0x8F2B, s0  }
0xbd: {  	[sflag:s0] =	ssyncadd.remote.s32 $0x1  }
0xbe: {  	_ =	sfence.sel $0xFFFF  }
0xbf: {  	[dreg:$0x0] =	wrdreg $0xFFFFFFFF;
	(pc) =	sbr.abs _section_cstart, $3  }
0xc0: {  	[dreg:$0x1] =	wrdreg $0xFFFFFFFF  }
0xc1: {  	_ =	task.clear_ibuf [dreg:s6], $0x2FFFF;
	_ =	strace $0x9FFFFFFF  }
0xc2: {  	(tm) =	ssettm $0x7FFFFFFF  }
0xc3: {  	_ =	shalt  }
tec
execute0_lowered:
.L_overlay_start_1:
0x0: {  	(tag) =	ssettag $0x1  }
0x1: {  	s4 =	rddreg [dreg:$0x0]  }
0x2: {  	s2 =	rddreg [dreg:$0x1]  }
0x3: {  	s0 =	rddreg [dreg:$0x2];
	s1 =	stileid.u32  }
0x4: {  	s5 =	srdreg.scid;
	s3 =	simm.s32 $0x0;
	s10 =	simm.s32 $0x50  }
0x5: {  	s11 =	simm.s32 $0x4000;
	s14 =	simm.s32 $0x20;
	s15 =	simm.s32 $0x10  }
0x6: {  	s16 =	simm.s32 $0x0;
	s5 =	sand.u32 $0x1, s5;
	s6 =	smul.u32 $0x500, s1  }
0x7: {  	[smem:$0x7FF] =	sst s3;
	s8 =	sshll.u32 s1, $0xB;
	s29 =	smul.u32 $0xA00, s1  }
0x8: {  	s12 =	sshll.u32 s1, $0x6;
	s7 =	sshll.u32 s5, $0x7;
	_ =	strace $0x80000047  }
0x9: {  	s28 =	sadd.s32 s8, s4;
	s30 =	ssub.s32 $0x2, s5;
	s5 =	sshll.u32 s5, $0xF  }
0xa: {  	s12 =	sor.u32 $0x1C01, s12;
	s6 =	sor.u32 s7, s6;
	s9 =	sshrl.u32 s30, $0x1  }
0xb: {  	s8 =	sshrl.u32 s29, $0x2;
	s5 =	sadd.s32 s5, s28;
	s6 =	sshrl.u32 s6, $0x3  }
0xc: {  	s31 =	ssub.s32 s30, s9;
	s5 =	sadd.s32 $0x3600, s5;
	s9 =	simm.s32 $0x1  }
0xd: {  	s6 =	sadd.s32 s6, s4;
	s4 =	sadd.s32 s8, s2;
	s7 =	smax.u32 s31, $0x1  }
0xe: {  	v0 =	vimm.f32 $1.000000000e+00;
	v1 =	vimm.f32 $0.0e+00;
	s8 =	simm.s32 $0x4080;
	s6 =	sadd.s32 $0x13600, s6;
	s13 =	sshrl.u32 s4, $0x3  }
.LBB2_1:
0xf: {  	[tilespmem:$0x4000] =	vst v0  }
0x10: {  	[tilespmem:$0x4010] =	vst v0  }
0x11: {  	[tilespmem:$0x4020] =	vst v0  }
0x12: {  	[tilespmem:$0x4030] =	vst v0  }
0x13: {  	[tilespmem:$0x4040] =	vst v0  }
0x14: {  	[tilespmem:$0x4080] =	vst v1  }
0x15: {  	[tilespmem:$0x4090] =	vst v1  }
0x16: {  	[tilespmem:$0x40A0] =	vst v1  }
0x17: {  	[tilespmem:$0x40B0] =	vst v1  }
0x18: {  	[tilespmem:$0x40C0] =	vst v1  }
0x19: {  	[tilespmem:$0x40D0] =	vst v1  }
0x1a: {  	[tilespmem:$0x40E0] =	vst v1  }
0x1b: {  	[tilespmem:$0x40F0] =	vst v1  }
0x1c: {  	[tilespmem:$0x4100] =	vst v1  }
0x1d: {  	[tilespmem:$0x4110] =	vst v1  }
0x1e: {  	[tilespmem:$0x4120] =	vst v1  }
0x1f: {  	[tilespmem:$0x4130] =	vst v1  }
0x20: {  	[tilespmem:$0x4140] =	vst v1  }
0x21: {  	[tilespmem:$0x4150] =	vst v1  }
0x22: {  	[tilespmem:$0x4160] =	vst v1  }
0x23: {  	[tilespmem:$0x4170] =	vst v1  }
0x24: {  	[tilespmem:$0x4180] =	vst v1  }
0x25: {  	[tilespmem:$0x4190] =	vst v1  }
0x26: {  	[tilespmem:$0x41A0] =	vst v1  }
0x27: {  	[tilespmem:$0x41B0] =	vst v1  }
0x28: {  	[tilespmem:$0x41C0] =	vst v1  }
0x29: {  	[tilespmem:$0x41D0] =	vst v1  }
0x2a: {  	[tilespmem:$0x41E0] =	vst v1  }
0x2b: {  	[tilespmem:$0x41F0] =	vst v1  }
0x2c: {  	[tilespmem:$0x4200] =	vst v1  }
0x2d: {  	[tilespmem:$0x4210] =	vst v1  }
0x2e: {  	[tilespmem:$0x4220] =	vst v1  }
0x2f: {  	[tilespmem:$0x4230] =	vst v1  }
0x30: {  	[tilespmem:$0x4240] =	vst v1  }
0x31: {  	[tilespmem:$0x4250] =	vst v1  }
0x32: {  	[tilespmem:$0x4260] =	vst v1  }
0x33: {  	[tilespmem:$0x4270] =	vst v1  }
0x34: {  	[tilespmem:$0x4280] =	vst v1  }
0x35: {  	[tilespmem:$0x4290] =	vst v1  }
0x36: {  	[tilespmem:$0x42A0] =	vst v1  }
0x37: {  	[tilespmem:$0x42B0] =	vst v1  }
0x38: {  	[tilespmem:$0x42C0] =	vst v1  }
0x39: {  	[tilespmem:$0x42D0] =	vst v1  }
0x3a: {  	[tilespmem:$0x42E0] =	vst v1  }
0x3b: {  	[tilespmem:$0x42F0] =	vst v1  }
0x3c: {  	[spmem:s4] =	stream.linear.scatter [tilespmem:s8], [sflag:$0x1], $0x280, $0x38;
	[tilespmem:$0x4580] =	vst v63  }
0x3d: {  	_ =	swait.ge [sflag:s9], $0x280  }
0x3e: {  	[sflag:s9] =	ssyncset.done $0x0  }
0x3f: {  	[sflag:s9] =	ssyncadd.s32 $0xFFFFFD80  }
0x40: {  	[bflag:$0x0] =	sbarrier.arrive $0xFFFF  }
0x41: {  	[tilespmem:s3], [sflag:$0x1] =	stream.linear.gather [hbm4b:s5+s3], $0x3E80, $0x38;
	[tilespmem:$0x4580] =	vst v63  }
0x42: {  	_ =	swait.ge [sflag:s9], $0x3E80  }
0x43: {  	[sflag:s9] =	ssyncset.done $0x0  }
0x44: {  	s17 =	simm.s32 $0x0;
	[sflag:s9] =	ssyncadd.s32 $0xFFFFC180  }
0x45: {  	[spmem:s2] =	stream.indirect.scatter.add.f32 [tilespmem:s11], [sflag:$0x1], $0x1, s17, s10, $0xb8;
	[tilespmem:$0x4580] =	vst v63  }
0x46: {  	_ =	swait.ge [sflag:s9], $0x50  }
0x47: {  	s17 =	simm.s32 $0x200;
	[sflag:s9] =	ssyncset.done $0x0  }
.LBB2_2:
0x48: {  	s18 =	sshra.s32 s17, $0x2;
	[sflag:s9] =	ssyncadd.s32 $0xFFFFFFB0;
	p0 =	sne.s32 s17, $0xF800  }
0x49: {  	[spmem:s2] =	stream.indirect.scatter.add.f32 [tilespmem:s11], [sflag:$0x1], $0x1, s18, s10, $0xb8;
	[tilespmem:$0x4580] =	vst v63  }
.Ltmp0:
0x4a: {  	_ = 	snop;
	(pc) =	sbr.rel @p0 .LBB2_2-.Ltmp0, $4  }
0x4b: {  	_ = 	snop  }
0x4c: {  	s17 =	sadd.s32 $0x200, s17  }
0x4d: {  	_ =	swait.ge [sflag:s9], $0x50  }
0x4e: {  	[sflag:s9] =	ssyncset.done $0x0  }
0x4f: {  	s16 =	sadd.s32 $0x1, s16  }
0x50: {  	[sflag:s9] =	ssyncadd.s32 $0xFFFFFFB0;
	p0 =	sne.s32 s16, s7  }
.Ltmp1:
0x51: {  	[bflag:$0x0] =	sbarrier.arrive $0xFFFF;
	(pc) =	sbr.rel @p0 .LBB2_1-.Ltmp1, $4  }
0x52: {  	[hbm:s6@s14], [sflag:s12] =	dma.strided [spmem:s13@s15], $0x50, s9, $0x10   }
0x53: {  	_ =	swait.ge [sflag:s9], $0x50  }
0x54: {  	[sflag:s9] =	ssyncset.done $0x0  }
0x55: {  	[sflag:s9] =	ssyncadd.s32 $0xFFFFFFB0  }
0x56: {  	_ =	sfence.sel $0x180000  }
0x57: {  	[bflag:$0x0] =	sbarrier.arrive $0xFFFF  }
0x58: {  	p0 =	sne.s32 s1, $0x0;
	_ =	strace $0x90000047  }
0x59: {  	s0 =	sadd.s32 @!p0 $0x100000, s0;
	[bflag:$0x2] =	sbarrier.arrive $0xFFFF  }
0x5a: {  	[sflag:s0] =	ssyncadd.tile.s32 @!p0 $0x1;
	_ =	shalt  }
.Lfunc_end2:
_tile_overlayer_lowered:
.L_overlay_start_2:
0x5b: {  	(tag) =	ssettag $0x2  }
0x5c: {  	s0 =	rddreg [dreg:$0x0];
	s2 =	stileid.u32  }
0x5d: {  	s1 =	rddreg [dreg:$0x1];
	p0 =	sne.s32 s2, $0x0  }
0x5e: {  	s3 =	rddreg [dreg:$0x2];
	[bflag:$0x3] =	sbarrier.arrive $0xFFFF;
	s2 =	simm.s32 @!p0 $0x1C01  }
0x5f: {  	[timem:s3], [sflag:s2] =	dma.local @!p0 [hbm:s0], s1  }
0x60: {  	s0 =	simm.s32 @!p0 $0x1  }
0x61: {  	_ =	swait.ge @!p0 [sflag:s0], s1  }
0x62: {  	s1 =	ssub.s32 @!p0 $0x0, s1;
	[sflag:s0] =	ssyncset.done @!p0 $0x0  }
0x63: {  	[sflag:s0] =	ssyncadd.s32 @!p0 s1  }
0x64: {  	[bflag:$0x3] =	sbarrier.arrive $0xFFFF  }
0x65: {  	_ =	shalt  }

</sc_bundles>
